<compile_context>
chip_gen: v7x
topology: tpu7x:2x2x1
jax: 0.10.2.dev20260603
libtpu: 0.0.44.dev20260713+nightly
codegen_flags: <defaults>
</compile_context>

<pallas_src>
import functools

import jax
import jax.numpy as jnp
from jax import lax
from jax.experimental import pallas as pl
from jax.experimental.pallas import tpu as pltpu
from jax.experimental.pallas import tpu_sc as plsc

NUM_VOCAB = 1000000
MAXLEN = 200
D = 64
BATCH = 4096
SEQ = 200

NC = 2
NS = 16
NW = NC * NS

B_TOTAL = BATCH * SEQ
ROWS_PER_W = B_TOTAL // NW
CH = SEQ
NSTEP = ROWS_PER_W // CH
NBUF = 4
SEQ_PER_W = BATCH // NW


def _emb_body(x_hbm, emb_hbm, pos_hbm, out_hbm,
              idx_v, pos_v, rows_v, gsem, osem):
    wid = lax.axis_index("s") * NC + lax.axis_index("c")
    my_base = wid * ROWS_PER_W
    my_seq = wid * SEQ_PER_W

    pltpu.sync_copy(x_hbm.at[pl.ds(my_base, ROWS_PER_W)], idx_v)
    pltpu.sync_copy(pos_hbm.at[pl.ds(0, SEQ)], pos_v)

    def gather_start(g, b):
        idx = idx_v.at[pl.ds(g * CH, CH)]
        pltpu.async_copy(emb_hbm.at[idx], rows_v.at[b], gsem.at[b])

    def gather_wait(g, b):
        idx = idx_v.at[pl.ds(g * CH, CH)]
        pltpu.make_async_copy(emb_hbm.at[idx], rows_v.at[b], gsem.at[b]).wait()

    def out_start(g, b):
        pltpu.async_copy(rows_v.at[b], out_hbm.at[my_seq + g], osem.at[b])

    def out_wait(g, b):
        pltpu.make_async_copy(rows_v.at[b], out_hbm.at[my_seq + g],
                              osem.at[b]).wait()

    for b in range(NBUF - 1):
        gather_start(b, b)

    def group_body(grp, carry):
        for b in range(NBUF):
            g = grp * NBUF + b
            gather_wait(g, b)

            def add_row(r, c):
                for j in range(D // 16):
                    sl = pl.ds(j * 16, 16)
                    rows_v[b, r, sl] = rows_v[b, r, sl] + pos_v[r, sl]
                return c
            lax.fori_loop(0, CH, add_row, 0)

            out_start(g, b)

            b2 = (g + NBUF - 1) % NBUF

            @pl.when(g + NBUF - 1 < NSTEP)
            def _():
                @pl.when(g > 0)
                def _():
                    out_wait(g - 1, b2)
                gather_start(g + NBUF - 1, b2)
        return carry

    lax.fori_loop(0, NSTEP // NBUF, group_body, 0)

    for b in range(NBUF):
        g = NSTEP - NBUF + b
        out_wait(g, b)


@jax.jit
def kernel(x, emb_table, pos_table):
    x_flat = x.reshape(-1).astype(jnp.int32)

    mesh = plsc.VectorSubcoreMesh(core_axis_name="c", subcore_axis_name="s")
    run = pl.kernel(
        _emb_body,
        mesh=mesh,
        out_type=jax.ShapeDtypeStruct((BATCH, SEQ, D), jnp.float32),
        compiler_params=pltpu.CompilerParams(use_tc_tiling_on_sc=False),
        scratch_types=[
            pltpu.VMEM((ROWS_PER_W,), jnp.int32),
            pltpu.VMEM((SEQ, D), jnp.float32),
            pltpu.VMEM((NBUF, CH, D), jnp.float32),
            pltpu.SemaphoreType.DMA((NBUF,)),
            pltpu.SemaphoreType.DMA((NBUF,)),
        ],
    )
    return run(x_flat, emb_table, pos_table)

# --- scband reference (transcript-rebuilt; emitter-appended) ---
"""Pipeline reference for scband-token-embedding-37297495998633 (READ-ONLY COPY).

The authoritative reference and input builder live on the scoring server;
editing this copy changes nothing except your own understanding.
"""

import jax, jax.numpy as jnp
import numpy as np

NUM_VOCAB = 1000000
MAXLEN = 200
D_MODEL = 64
BATCH = 4096
SEQ = 200

def setup_inputs(seed: int = 0) -> dict:
    key = jax.random.key(seed)
    k1, k2, k3 = jax.random.split(key, 3)
    x = jax.random.randint(k1, (BATCH, SEQ), 0, NUM_VOCAB, dtype=jnp.int64 if jax.config.read('jax_enable_x64') else jnp.int32)
    emb_table = jax.random.normal(k2, (NUM_VOCAB, D_MODEL), dtype=jnp.float32) * 0.05
    pos_table = jax.random.normal(k3, (MAXLEN + 1, D_MODEL), dtype=jnp.float32) * 0.05
    return {"x": x, "emb_table": emb_table, "pos_table": pos_table}

def reference(x, emb_table, pos_table):
    # token embedding lookup: gather rows from emb_table
    tok = jnp.take(emb_table, x, axis=0)  # [B, L, d_model]
    # positional embedding: positions 0..L-1 looked up in pos_table
    seqlen = x.shape[-1]
    positions = jnp.arange(0, seqlen, dtype=jnp.int32)
    pos = jnp.take(pos_table, positions, axis=0)  # [L, d_model]
    return tok + pos[None, :, :]

if __name__ == "__main__":
    import jax
    _d = setup_inputs()
    print(jax.jit(kernel)(*tuple(_d.values())))

</pallas_src>

<mosaic_0001>
#map = affine_map<(d0, d1) -> (0)>
#map1 = affine_map<(d0, d1) -> (0, 0)>
#map2 = affine_map<(d0, d1) -> (0, 0, 0)>
module attributes {stable_mosaic.version = 14 : i64} {
  func.func @_emb_body(%arg0: i32, %arg1: i32, %arg2: memref<819200xi32, #tpu.memory_space<hbm>>, %arg3: memref<1000000x64xf32, #tpu.memory_space<hbm>>, %arg4: memref<201x64xf32, #tpu.memory_space<hbm>>, %arg5: memref<4096x200x64xf32, #tpu.memory_space<hbm>>, %arg6: memref<25600xi32, #tpu.memory_space<vmem>>, %arg7: memref<200x64xf32, #tpu.memory_space<vmem>>, %arg8: memref<4x200x64xf32, #tpu.memory_space<vmem>>, %arg9: memref<4x!tpu.dma_semaphore, #tpu.memory_space<semaphore_mem>>, %arg10: memref<4x!tpu.dma_semaphore, #tpu.memory_space<semaphore_mem>>) attributes {dimension_semantics = [#tpu.dimension_semantics<core_parallel>, #tpu.dimension_semantics<subcore_parallel>], iteration_bounds = array<i64: 2, 16>, scalar_prefetch = 0 : i64, scratch_operands = 5 : i64, tpu.core_type = #tpu.core_type<sc_vector_subcore>, window_params = [{transform_indices = #map}, {transform_indices = #map1}, {transform_indices = #map1}, {transform_indices = #map2}]} {
    %mul3A = arith.constant 2 : i32
    %mul3A_0 = arith.muli %arg1, %mul3A : i32
    %add3A = arith.addi %mul3A_0, %arg0 : i32
    %mul3A_1 = arith.constant 25600 : i32
    %mul3A_2 = arith.muli %add3A, %mul3A_1 : i32
    %mul3A_3 = arith.constant 128 : i32
    %mul3A_4 = arith.muli %add3A, %mul3A_3 : i32
    "tpu.region"() ({
      %run_scoped3A = tpu.sem_alloc : memref<!tpu.dma_semaphore, #tpu.memory_space<semaphore_mem>>
      %dma_start3A_135 = tpu.memref_slice %arg2[%mul3A_2] : memref<819200xi32, #tpu.memory_space<hbm>> -> memref<25600xi32, #tpu.memory_space<hbm>>
      %dma_start3A_136 = tpu.memref_slice %arg2[%mul3A_2] : memref<819200xi32, #tpu.memory_space<hbm>> -> memref<25600xi32, #tpu.memory_space<hbm>>
      tpu.enqueue_dma source(%dma_start3A_136 : memref<25600xi32, #tpu.memory_space<hbm>>) target(%arg6 : memref<25600xi32, #tpu.memory_space<vmem>>) target_semaphore(%run_scoped3A : memref<!tpu.dma_semaphore, #tpu.memory_space<semaphore_mem>>)
      %dma_wait3A_137 = tpu.memref_slice %arg2[%mul3A_2] : memref<819200xi32, #tpu.memory_space<hbm>> -> memref<25600xi32, #tpu.memory_space<hbm>>
      %dma_wait3A_138 = tpu.memref_slice %arg2[%mul3A_2] : memref<819200xi32, #tpu.memory_space<hbm>> -> memref<25600xi32, #tpu.memory_space<hbm>>
      tpu.wait_dma2 semaphore(%run_scoped3A : memref<!tpu.dma_semaphore, #tpu.memory_space<semaphore_mem>>) src(%dma_wait3A_138 : memref<25600xi32, #tpu.memory_space<hbm>>) dst(%arg6 : memref<25600xi32, #tpu.memory_space<vmem>>)
      tpu.yield
    }) : () -> ()
    "tpu.region"() ({
      %run_scoped3A = tpu.sem_alloc : memref<!tpu.dma_semaphore, #tpu.memory_space<semaphore_mem>>
      %dma_start3A_135 = arith.constant 0 : i32
      %dma_start3A_136 = arith.constant 0 : i32
      %dma_start3A_137 = tpu.memref_slice %arg4[%dma_start3A_135, %dma_start3A_136] : memref<201x64xf32, #tpu.memory_space<hbm>> -> memref<200x64xf32, #tpu.memory_space<hbm>>
      %dma_start3A_138 = arith.constant 0 : i32
      %dma_start3A_139 = arith.constant 0 : i32
      %dma_start3A_140 = tpu.memref_slice %arg4[%dma_start3A_138, %dma_start3A_139] : memref<201x64xf32, #tpu.memory_space<hbm>> -> memref<200x64xf32, #tpu.memory_space<hbm>>
      tpu.enqueue_dma source(%dma_start3A_140 : memref<200x64xf32, #tpu.memory_space<hbm>>) target(%arg7 : memref<200x64xf32, #tpu.memory_space<vmem>>) target_semaphore(%run_scoped3A : memref<!tpu.dma_semaphore, #tpu.memory_space<semaphore_mem>>)
      %dma_wait3A_141 = arith.constant 0 : i32
      %dma_wait3A_142 = arith.constant 0 : i32
      %dma_wait3A_143 = tpu.memref_slice %arg4[%dma_wait3A_141, %dma_wait3A_142] : memref<201x64xf32, #tpu.memory_space<hbm>> -> memref<200x64xf32, #tpu.memory_space<hbm>>
      %dma_wait3A_144 = arith.constant 0 : i32
      %dma_wait3A_145 = arith.constant 0 : i32
      %dma_wait3A_146 = tpu.memref_slice %arg4[%dma_wait3A_144, %dma_wait3A_145] : memref<201x64xf32, #tpu.memory_space<hbm>> -> memref<200x64xf32, #tpu.memory_space<hbm>>
      tpu.wait_dma2 semaphore(%run_scoped3A : memref<!tpu.dma_semaphore, #tpu.memory_space<semaphore_mem>>) src(%dma_wait3A_146 : memref<200x64xf32, #tpu.memory_space<hbm>>) dst(%arg7 : memref<200x64xf32, #tpu.memory_space<vmem>>)
      tpu.yield
    }) : () -> ()
    %dma_start3A = arith.constant 0 : i32
    %dma_start3A_5 = arith.constant 0 : i32
    %dma_start3A_6 = arith.constant 0 : i32
    %dma_start3A_7 = arith.constant 0 : i32
    %dma_start3A_8 = tpu.memref_slice %arg8[%dma_start3A, %dma_start3A_6, %dma_start3A_7] : memref<4x200x64xf32, #tpu.memory_space<vmem>> -> memref<1x200x64xf32, #tpu.memory_space<vmem>>
    %dma_start3A_9 = tpu.memref_squeeze %dma_start3A_8 : memref<1x200x64xf32, #tpu.memory_space<vmem>> -> memref<200x64xf32, #tpu.memory_space<vmem>>
    %dma_start3A_10 = arith.constant 0 : i32
    %dma_start3A_11 = tpu.memref_slice %arg6[%dma_start3A_10] : memref<25600xi32, #tpu.memory_space<vmem>> -> memref<200xi32, #tpu.memory_space<vmem>>
    %dma_start3A_12 = arith.constant 0 : i32
    %dma_start3A_13 = arith.constant 0 : i32
    %dma_start3A_14 = tpu.memref_slice %arg3[%dma_start3A_12, %dma_start3A_13] : memref<1000000x64xf32, #tpu.memory_space<hbm>> -> memref<1000000x64xf32, #tpu.memory_space<hbm>>
    %dma_start3A_15 = tpu.memref_slice %arg9[%dma_start3A_5] : memref<4x!tpu.dma_semaphore, #tpu.memory_space<semaphore_mem>> -> memref<1x!tpu.dma_semaphore, #tpu.memory_space<semaphore_mem>>
    %dma_start3A_16 = tpu.memref_squeeze %dma_start3A_15 : memref<1x!tpu.dma_semaphore, #tpu.memory_space<semaphore_mem>> -> memref<!tpu.dma_semaphore, #tpu.memory_space<semaphore_mem>>
    tpu.enqueue_indirect_dma source(%dma_start3A_14 : memref<1000000x64xf32, #tpu.memory_space<hbm>>) target(%dma_start3A_9 : memref<200x64xf32, #tpu.memory_space<vmem>>) offsets(%dma_start3A_11 : memref<200xi32, #tpu.memory_space<vmem>>) semaphore(%dma_start3A_16 : memref<!tpu.dma_semaphore, #tpu.memory_space<semaphore_mem>>)
    %dma_start3A_17 = arith.constant 1 : i32
    %dma_start3A_18 = arith.constant 1 : i32
    %dma_start3A_19 = arith.constant 0 : i32
    %dma_start3A_20 = arith.constant 0 : i32
    %dma_start3A_21 = tpu.memref_slice %arg8[%dma_start3A_17, %dma_start3A_19, %dma_start3A_20] : memref<4x200x64xf32, #tpu.memory_space<vmem>> -> memref<1x200x64xf32, #tpu.memory_space<vmem>>
    %dma_start3A_22 = tpu.memref_squeeze %dma_start3A_21 : memref<1x200x64xf32, #tpu.memory_space<vmem>> -> memref<200x64xf32, #tpu.memory_space<vmem>>
    %dma_start3A_23 = arith.constant 200 : i32
    %dma_start3A_24 = tpu.memref_slice %arg6[%dma_start3A_23] : memref<25600xi32, #tpu.memory_space<vmem>> -> memref<200xi32, #tpu.memory_space<vmem>>
    %dma_start3A_25 = arith.constant 0 : i32
    %dma_start3A_26 = arith.constant 0 : i32
    %dma_start3A_27 = tpu.memref_slice %arg3[%dma_start3A_25, %dma_start3A_26] : memref<1000000x64xf32, #tpu.memory_space<hbm>> -> memref<1000000x64xf32, #tpu.memory_space<hbm>>
    %dma_start3A_28 = tpu.memref_slice %arg9[%dma_start3A_18] : memref<4x!tpu.dma_semaphore, #tpu.memory_space<semaphore_mem>> -> memref<1x!tpu.dma_semaphore, #tpu.memory_space<semaphore_mem>>
    %dma_start3A_29 = tpu.memref_squeeze %dma_start3A_28 : memref<1x!tpu.dma_semaphore, #tpu.memory_space<semaphore_mem>> -> memref<!tpu.dma_semaphore, #tpu.memory_space<semaphore_mem>>
    tpu.enqueue_indirect_dma source(%dma_start3A_27 : memref<1000000x64xf32, #tpu.memory_space<hbm>>) target(%dma_start3A_22 : memref<200x64xf32, #tpu.memory_space<vmem>>) offsets(%dma_start3A_24 : memref<200xi32, #tpu.memory_space<vmem>>) semaphore(%dma_start3A_29 : memref<!tpu.dma_semaphore, #tpu.memory_space<semaphore_mem>>)
    %dma_start3A_30 = arith.constant 2 : i32
    %dma_start3A_31 = arith.constant 2 : i32
    %dma_start3A_32 = arith.constant 0 : i32
    %dma_start3A_33 = arith.constant 0 : i32
    %dma_start3A_34 = tpu.memref_slice %arg8[%dma_start3A_30, %dma_start3A_32, %dma_start3A_33] : memref<4x200x64xf32, #tpu.memory_space<vmem>> -> memref<1x200x64xf32, #tpu.memory_space<vmem>>
    %dma_start3A_35 = tpu.memref_squeeze %dma_start3A_34 : memref<1x200x64xf32, #tpu.memory_space<vmem>> -> memref<200x64xf32, #tpu.memory_space<vmem>>
    %dma_start3A_36 = arith.constant 400 : i32
    %dma_start3A_37 = tpu.memref_slice %arg6[%dma_start3A_36] : memref<25600xi32, #tpu.memory_space<vmem>> -> memref<200xi32, #tpu.memory_space<vmem>>
    %dma_start3A_38 = arith.constant 0 : i32
    %dma_start3A_39 = arith.constant 0 : i32
    %dma_start3A_40 = tpu.memref_slice %arg3[%dma_start3A_38, %dma_start3A_39] : memref<1000000x64xf32, #tpu.memory_space<hbm>> -> memref<1000000x64xf32, #tpu.memory_space<hbm>>
    %dma_start3A_41 = tpu.memref_slice %arg9[%dma_start3A_31] : memref<4x!tpu.dma_semaphore, #tpu.memory_space<semaphore_mem>> -> memref<1x!tpu.dma_semaphore, #tpu.memory_space<semaphore_mem>>
    %dma_start3A_42 = tpu.memref_squeeze %dma_start3A_41 : memref<1x!tpu.dma_semaphore, #tpu.memory_space<semaphore_mem>> -> memref<!tpu.dma_semaphore, #tpu.memory_space<semaphore_mem>>
    tpu.enqueue_indirect_dma source(%dma_start3A_40 : memref<1000000x64xf32, #tpu.memory_space<hbm>>) target(%dma_start3A_35 : memref<200x64xf32, #tpu.memory_space<vmem>>) offsets(%dma_start3A_37 : memref<200xi32, #tpu.memory_space<vmem>>) semaphore(%dma_start3A_42 : memref<!tpu.dma_semaphore, #tpu.memory_space<semaphore_mem>>)
    %scan3A = arith.constant 0 : i32
    %scan3A_43 = arith.constant 0 : i32
    %scan3A_44 = arith.constant 32 : i32
    %scan3A_45 = arith.addi %scan3A_43, %scan3A_44 : i32
    %scan3A_46 = arith.constant 1 : i32
    scf.for %scan3A_135 = %scan3A_43 to %scan3A_45 step %scan3A_46  : i32 {
      %mul3A_136 = arith.constant 4 : i32
      %mul3A_137 = arith.muli %scan3A_135, %mul3A_136 : i32
      %add3A_138 = arith.constant 0 : i32
      %add3A_139 = arith.addi %mul3A_137, %add3A_138 : i32
      %mul3A_140 = arith.constant 200 : i32
      %mul3A_141 = arith.muli %add3A_139, %mul3A_140 : i32
      %dma_wait3A_142 = arith.constant 0 : i32
      %dma_wait3A_143 = arith.constant 0 : i32
      %dma_wait3A_144 = arith.constant 0 : i32
      %dma_wait3A_145 = arith.constant 0 : i32
      %dma_wait3A_146 = tpu.memref_slice %arg8[%dma_wait3A_142, %dma_wait3A_144, %dma_wait3A_145] : memref<4x200x64xf32, #tpu.memory_space<vmem>> -> memref<1x200x64xf32, #tpu.memory_space<vmem>>
      %dma_wait3A_147 = tpu.memref_squeeze %dma_wait3A_146 : memref<1x200x64xf32, #tpu.memory_space<vmem>> -> memref<200x64xf32, #tpu.memory_space<vmem>>
      %dma_wait3A_148 = tpu.memref_slice %arg6[%mul3A_141] : memref<25600xi32, #tpu.memory_space<vmem>> -> memref<200xi32, #tpu.memory_space<vmem>>
      %dma_wait3A_149 = arith.constant 0 : i32
      %dma_wait3A_150 = arith.constant 0 : i32
      %dma_wait3A_151 = tpu.memref_slice %arg3[%dma_wait3A_149, %dma_wait3A_150] : memref<1000000x64xf32, #tpu.memory_space<hbm>> -> memref<1000000x64xf32, #tpu.memory_space<hbm>>
      %dma_wait3A_152 = tpu.memref_slice %arg9[%dma_wait3A_143] : memref<4x!tpu.dma_semaphore, #tpu.memory_space<semaphore_mem>> -> memref<1x!tpu.dma_semaphore, #tpu.memory_space<semaphore_mem>>
      %dma_wait3A_153 = tpu.memref_squeeze %dma_wait3A_152 : memref<1x!tpu.dma_semaphore, #tpu.memory_space<semaphore_mem>> -> memref<!tpu.dma_semaphore, #tpu.memory_space<semaphore_mem>>
      tpu.wait_indirect_dma semaphore(%dma_wait3A_153 : memref<!tpu.dma_semaphore, #tpu.memory_space<semaphore_mem>>) src(%dma_wait3A_151 : memref<1000000x64xf32, #tpu.memory_space<hbm>>) dst(%dma_wait3A_147 : memref<200x64xf32, #tpu.memory_space<vmem>>)
      %scan3A_154 = arith.constant 0 : i32
      %scan3A_155 = arith.constant 0 : i32
      %scan3A_156 = arith.constant 200 : i32
      %scan3A_157 = arith.addi %scan3A_155, %scan3A_156 : i32
      %scan3A_158 = arith.constant 1 : i32
      scf.for %scan3A_422 = %scan3A_155 to %scan3A_157 step %scan3A_158  : i32 {
        %get3A = arith.constant 0 : i32
        %get3A_423 = arith.index_cast %get3A : i32 to index
        %get3A_424 = arith.index_cast %scan3A_422 : i32 to index
        %get3A_425 = arith.constant 0 : index
        %get3A_426 = tpu.vector_load %arg8[%get3A_423, %get3A_424, %get3A_425] {strides = array<i32>} : memref<4x200x64xf32, #tpu.memory_space<vmem>>, vector<1x1x16xf32>,
        %get3A_427 = vector.shape_cast %get3A_426 : vector<1x1x16xf32> to vector<16xf32>
        %get3A_428 = arith.index_cast %scan3A_422 : i32 to index
        %get3A_429 = arith.constant 0 : index
        %get3A_430 = tpu.vector_load %arg7[%get3A_428, %get3A_429] {strides = array<i32>} : memref<200x64xf32, #tpu.memory_space<vmem>>, vector<1x16xf32>,
        %get3A_431 = vector.shape_cast %get3A_430 : vector<1x16xf32> to vector<16xf32>
        %add3A_432 = arith.addf %get3A_427, %get3A_431 : vector<16xf32>
        %swap3A = arith.constant 0 : i32
        %swap3A_433 = arith.index_cast %swap3A : i32 to index
        %swap3A_434 = arith.index_cast %scan3A_422 : i32 to index
        %swap3A_435 = arith.constant 0 : index
        %swap3A_436 = tpu.vector_load %arg8[%swap3A_433, %swap3A_434, %swap3A_435] {strides = array<i32>} : memref<4x200x64xf32, #tpu.memory_space<vmem>>, vector<1x1x16xf32>,
        %swap3A_437 = vector.shape_cast %swap3A_436 : vector<1x1x16xf32> to vector<16xf32>
        %swap3A_438 = vector.shape_cast %add3A_432 : vector<16xf32> to vector<1x1x16xf32>
        tpu.vector_store %arg8[%swap3A_433, %swap3A_434, %swap3A_435], %swap3A_438 {strides = array<i32>} : memref<4x200x64xf32, #tpu.memory_space<vmem>>, vector<1x1x16xf32>,
        %get3A_439 = arith.constant 0 : i32
        %get3A_440 = arith.index_cast %get3A_439 : i32 to index
        %get3A_441 = arith.index_cast %scan3A_422 : i32 to index
        %get3A_442 = arith.constant 16 : index
        %get3A_443 = tpu.vector_load %arg8[%get3A_440, %get3A_441, %get3A_442] {strides = array<i32>} : memref<4x200x64xf32, #tpu.memory_space<vmem>>, vector<1x1x16xf32>,
        %get3A_444 = vector.shape_cast %get3A_443 : vector<1x1x16xf32> to vector<16xf32>
        %get3A_445 = arith.index_cast %scan3A_422 : i32 to index
        %get3A_446 = arith.constant 16 : index
        %get3A_447 = tpu.vector_load %arg7[%get3A_445, %get3A_446] {strides = array<i32>} : memref<200x64xf32, #tpu.memory_space<vmem>>, vector<1x16xf32>,
        %get3A_448 = vector.shape_cast %get3A_447 : vector<1x16xf32> to vector<16xf32>
        %add3A_449 = arith.addf %get3A_444, %get3A_448 : vector<16xf32>
        %swap3A_450 = arith.constant 0 : i32
        %swap3A_451 = arith.index_cast %swap3A_450 : i32 to index
        %swap3A_452 = arith.index_cast %scan3A_422 : i32 to index
        %swap3A_453 = arith.constant 16 : index
        %swap3A_454 = tpu.vector_load %arg8[%swap3A_451, %swap3A_452, %swap3A_453] {strides = array<i32>} : memref<4x200x64xf32, #tpu.memory_space<vmem>>, vector<1x1x16xf32>,
        %swap3A_455 = vector.shape_cast %swap3A_454 : vector<1x1x16xf32> to vector<16xf32>
        %swap3A_456 = vector.shape_cast %add3A_449 : vector<16xf32> to vector<1x1x16xf32>
        tpu.vector_store %arg8[%swap3A_451, %swap3A_452, %swap3A_453], %swap3A_456 {strides = array<i32>} : memref<4x200x64xf32, #tpu.memory_space<vmem>>, vector<1x1x16xf32>,
        %get3A_457 = arith.constant 0 : i32
        %get3A_458 = arith.index_cast %get3A_457 : i32 to index
        %get3A_459 = arith.index_cast %scan3A_422 : i32 to index
        %get3A_460 = arith.constant 32 : index
        %get3A_461 = tpu.vector_load %arg8[%get3A_458, %get3A_459, %get3A_460] {strides = array<i32>} : memref<4x200x64xf32, #tpu.memory_space<vmem>>, vector<1x1x16xf32>,
        %get3A_462 = vector.shape_cast %get3A_461 : vector<1x1x16xf32> to vector<16xf32>
        %get3A_463 = arith.index_cast %scan3A_422 : i32 to index
        %get3A_464 = arith.constant 32 : index
        %get3A_465 = tpu.vector_load %arg7[%get3A_463, %get3A_464] {strides = array<i32>} : memref<200x64xf32, #tpu.memory_space<vmem>>, vector<1x16xf32>,
        %get3A_466 = vector.shape_cast %get3A_465 : vector<1x16xf32> to vector<16xf32>
        %add3A_467 = arith.addf %get3A_462, %get3A_466 : vector<16xf32>
        %swap3A_468 = arith.constant 0 : i32
        %swap3A_469 = arith.index_cast %swap3A_468 : i32 to index
        %swap3A_470 = arith.index_cast %scan3A_422 : i32 to index
        %swap3A_471 = arith.constant 32 : index
        %swap3A_472 = tpu.vector_load %arg8[%swap3A_469, %swap3A_470, %swap3A_471] {strides = array<i32>} : memref<4x200x64xf32, #tpu.memory_space<vmem>>, vector<1x1x16xf32>,
        %swap3A_473 = vector.shape_cast %swap3A_472 : vector<1x1x16xf32> to vector<16xf32>
        %swap3A_474 = vector.shape_cast %add3A_467 : vector<16xf32> to vector<1x1x16xf32>
        tpu.vector_store %arg8[%swap3A_469, %swap3A_470, %swap3A_471], %swap3A_474 {strides = array<i32>} : memref<4x200x64xf32, #tpu.memory_space<vmem>>, vector<1x1x16xf32>,
        %get3A_475 = arith.constant 0 : i32
        %get3A_476 = arith.index_cast %get3A_475 : i32 to index
        %get3A_477 = arith.index_cast %scan3A_422 : i32 to index
        %get3A_478 = arith.constant 48 : index
        %get3A_479 = tpu.vector_load %arg8[%get3A_476, %get3A_477, %get3A_478] {strides = array<i32>} : memref<4x200x64xf32, #tpu.memory_space<vmem>>, vector<1x1x16xf32>,
        %get3A_480 = vector.shape_cast %get3A_479 : vector<1x1x16xf32> to vector<16xf32>
        %get3A_481 = arith.index_cast %scan3A_422 : i32 to index
        %get3A_482 = arith.constant 48 : index
        %get3A_483 = tpu.vector_load %arg7[%get3A_481, %get3A_482] {strides = array<i32>} : memref<200x64xf32, #tpu.memory_space<vmem>>, vector<1x16xf32>,
        %get3A_484 = vector.shape_cast %get3A_483 : vector<1x16xf32> to vector<16xf32>
        %add3A_485 = arith.addf %get3A_480, %get3A_484 : vector<16xf32>
        %swap3A_486 = arith.constant 0 : i32
        %swap3A_487 = arith.index_cast %swap3A_486 : i32 to index
        %swap3A_488 = arith.index_cast %scan3A_422 : i32 to index
        %swap3A_489 = arith.constant 48 : index
        %swap3A_490 = tpu.vector_load %arg8[%swap3A_487, %swap3A_488, %swap3A_489] {strides = array<i32>} : memref<4x200x64xf32, #tpu.memory_space<vmem>>, vector<1x1x16xf32>,
        %swap3A_491 = vector.shape_cast %swap3A_490 : vector<1x1x16xf32> to vector<16xf32>
        %swap3A_492 = vector.shape_cast %add3A_485 : vector<16xf32> to vector<1x1x16xf32>
        tpu.vector_store %arg8[%swap3A_487, %swap3A_488, %swap3A_489], %swap3A_492 {strides = array<i32>} : memref<4x200x64xf32, #tpu.memory_space<vmem>>, vector<1x1x16xf32>,
      }
      %scan3A_159 = arith.constant 200 : i32
      %add3A_160 = arith.addi %mul3A_4, %add3A_139 : i32
      %dma_start3A_161 = arith.constant 0 : i32
      %dma_start3A_162 = arith.constant 0 : i32
      %dma_start3A_163 = arith.constant 0 : i32
      %dma_start3A_164 = arith.constant 0 : i32
      %dma_start3A_165 = tpu.memref_slice %arg8[%dma_start3A_161, %dma_start3A_163, %dma_start3A_164] : memref<4x200x64xf32, #tpu.memory_space<vmem>> -> memref<1x200x64xf32, #tpu.memory_space<vmem>>
      %dma_start3A_166 = tpu.memref_squeeze %dma_start3A_165 : memref<1x200x64xf32, #tpu.memory_space<vmem>> -> memref<200x64xf32, #tpu.memory_space<vmem>>
      %dma_start3A_167 = arith.constant 0 : i32
      %dma_start3A_168 = arith.constant 0 : i32
      %dma_start3A_169 = tpu.memref_slice %arg5[%add3A_160, %dma_start3A_167, %dma_start3A_168] : memref<4096x200x64xf32, #tpu.memory_space<hbm>> -> memref<1x200x64xf32, #tpu.memory_space<hbm>>
      %dma_start3A_170 = tpu.memref_squeeze %dma_start3A_169 : memref<1x200x64xf32, #tpu.memory_space<hbm>> -> memref<200x64xf32, #tpu.memory_space<hbm>>
      %dma_start3A_171 = tpu.memref_slice %arg10[%dma_start3A_162] : memref<4x!tpu.dma_semaphore, #tpu.memory_space<semaphore_mem>> -> memref<1x!tpu.dma_semaphore, #tpu.memory_space<semaphore_mem>>
      %dma_start3A_172 = tpu.memref_squeeze %dma_start3A_171 : memref<1x!tpu.dma_semaphore, #tpu.memory_space<semaphore_mem>> -> memref<!tpu.dma_semaphore, #tpu.memory_space<semaphore_mem>>
      %dma_start3A_173 = arith.constant 0 : i32
      %dma_start3A_174 = arith.constant 0 : i32
      %dma_start3A_175 = tpu.memref_slice %arg5[%add3A_160, %dma_start3A_173, %dma_start3A_174] : memref<4096x200x64xf32, #tpu.memory_space<hbm>> -> memref<1x200x64xf32, #tpu.memory_space<hbm>>
      %dma_start3A_176 = tpu.memref_squeeze %dma_start3A_175 : memref<1x200x64xf32, #tpu.memory_space<hbm>> -> memref<200x64xf32, #tpu.memory_space<hbm>>
      %dma_start3A_177 = arith.constant 0 : i32
      %dma_start3A_178 = arith.constant 0 : i32
      %dma_start3A_179 = tpu.memref_slice %arg8[%dma_start3A_161, %dma_start3A_177, %dma_start3A_178] : memref<4x200x64xf32, #tpu.memory_space<vmem>> -> memref<1x200x64xf32, #tpu.memory_space<vmem>>
      %dma_start3A_180 = tpu.memref_squeeze %dma_start3A_179 : memref<1x200x64xf32, #tpu.memory_space<vmem>> -> memref<200x64xf32, #tpu.memory_space<vmem>>
      tpu.enqueue_dma source(%dma_start3A_180 : memref<200x64xf32, #tpu.memory_space<vmem>>) target(%dma_start3A_176 : memref<200x64xf32, #tpu.memory_space<hbm>>) target_semaphore(%dma_start3A_172 : memref<!tpu.dma_semaphore, #tpu.memory_space<semaphore_mem>>)
      %add3A_181 = arith.constant 4 : i32
      %add3A_182 = arith.addi %add3A_139, %add3A_181 : i32
      %sub3A = arith.constant 1 : i32
      %sub3A_183 = arith.subi %add3A_182, %sub3A : i32
      %jit3A = arith.constant 4 : i32
      %eq3A = arith.constant 0 : i32
      %eq3A_184 = arith.cmpi eq, %jit3A, %eq3A : i32
      %jit3A_185 = arith.constant 1 : i32
      %select_n3A = arith.select %eq3A_184, %jit3A_185, %jit3A : i32
      %rem3A = arith.remsi %sub3A_183, %select_n3A : i32
      %ne3A = arith.constant 0 : i32
      %ne3A_186 = arith.cmpi ne, %rem3A, %ne3A : i32
      %lt3A = arith.constant 0 : i32
      %lt3A_187 = arith.cmpi slt, %rem3A, %lt3A : i32
      %lt3A_188 = arith.constant 0 : i32
      %lt3A_189 = arith.cmpi slt, %select_n3A, %lt3A_188 : i32
      %ne3A_190 = arith.xori %lt3A_187, %lt3A_189 : i1
      %and3A = arith.andi %ne3A_190, %ne3A_186 : i1
      %add3A_191 = arith.addi %rem3A, %select_n3A : i32
      %select_n3A_192 = arith.select %and3A, %add3A_191, %rem3A : i32
      %add3A_193 = arith.constant 4 : i32
      %add3A_194 = arith.addi %add3A_139, %add3A_193 : i32
      %sub3A_195 = arith.constant 1 : i32
      %sub3A_196 = arith.subi %add3A_194, %sub3A_195 : i32
      %lt3A_197 = arith.constant 128 : i32
      %lt3A_198 = arith.cmpi slt, %sub3A_196, %lt3A_197 : i32
      %convert_element_type3A = arith.extui %lt3A_198 : i1 to i32
      %cond3A = arith.constant 0 : i32
      %cond3A_199 = arith.cmpi ne, %convert_element_type3A, %cond3A : i32
      scf.if %cond3A_199 {
        %gt3A = arith.constant 0 : i32
        %gt3A_422 = arith.cmpi sgt, %add3A_139, %gt3A : i32
        %convert_element_type3A_423 = arith.extui %gt3A_422 : i1 to i32
        %cond3A_424 = arith.constant 0 : i32
        %cond3A_425 = arith.cmpi ne, %convert_element_type3A_423, %cond3A_424 : i32
        scf.if %cond3A_425 {
          %sub3A_442 = arith.constant 1 : i32
          %sub3A_443 = arith.subi %add3A_139, %sub3A_442 : i32
          %add3A_444 = arith.addi %mul3A_4, %sub3A_443 : i32
          %dma_wait3A_445 = arith.constant 0 : i32
          %dma_wait3A_446 = arith.constant 0 : i32
          %dma_wait3A_447 = tpu.memref_slice %arg8[%select_n3A_192, %dma_wait3A_445, %dma_wait3A_446] : memref<4x200x64xf32, #tpu.memory_space<vmem>> -> memref<1x200x64xf32, #tpu.memory_space<vmem>>
          %dma_wait3A_448 = tpu.memref_squeeze %dma_wait3A_447 : memref<1x200x64xf32, #tpu.memory_space<vmem>> -> memref<200x64xf32, #tpu.memory_space<vmem>>
          %dma_wait3A_449 = arith.constant 0 : i32
          %dma_wait3A_450 = arith.constant 0 : i32
          %dma_wait3A_451 = tpu.memref_slice %arg5[%add3A_444, %dma_wait3A_449, %dma_wait3A_450] : memref<4096x200x64xf32, #tpu.memory_space<hbm>> -> memref<1x200x64xf32, #tpu.memory_space<hbm>>
          %dma_wait3A_452 = tpu.memref_squeeze %dma_wait3A_451 : memref<1x200x64xf32, #tpu.memory_space<hbm>> -> memref<200x64xf32, #tpu.memory_space<hbm>>
          %dma_wait3A_453 = tpu.memref_slice %arg10[%select_n3A_192] : memref<4x!tpu.dma_semaphore, #tpu.memory_space<semaphore_mem>> -> memref<1x!tpu.dma_semaphore, #tpu.memory_space<semaphore_mem>>
          %dma_wait3A_454 = tpu.memref_squeeze %dma_wait3A_453 : memref<1x!tpu.dma_semaphore, #tpu.memory_space<semaphore_mem>> -> memref<!tpu.dma_semaphore, #tpu.memory_space<semaphore_mem>>
          %dma_wait3A_455 = arith.constant 0 : i32
          %dma_wait3A_456 = arith.constant 0 : i32
          %dma_wait3A_457 = tpu.memref_slice %arg5[%add3A_444, %dma_wait3A_455, %dma_wait3A_456] : memref<4096x200x64xf32, #tpu.memory_space<hbm>> -> memref<1x200x64xf32, #tpu.memory_space<hbm>>
          %dma_wait3A_458 = tpu.memref_squeeze %dma_wait3A_457 : memref<1x200x64xf32, #tpu.memory_space<hbm>> -> memref<200x64xf32, #tpu.memory_space<hbm>>
          %dma_wait3A_459 = arith.constant 0 : i32
          %dma_wait3A_460 = arith.constant 0 : i32
          %dma_wait3A_461 = tpu.memref_slice %arg8[%select_n3A_192, %dma_wait3A_459, %dma_wait3A_460] : memref<4x200x64xf32, #tpu.memory_space<vmem>> -> memref<1x200x64xf32, #tpu.memory_space<vmem>>
          %dma_wait3A_462 = tpu.memref_squeeze %dma_wait3A_461 : memref<1x200x64xf32, #tpu.memory_space<vmem>> -> memref<200x64xf32, #tpu.memory_space<vmem>>
          tpu.wait_dma2 semaphore(%dma_wait3A_454 : memref<!tpu.dma_semaphore, #tpu.memory_space<semaphore_mem>>) src(%dma_wait3A_462 : memref<200x64xf32, #tpu.memory_space<vmem>>) dst(%dma_wait3A_458 : memref<200x64xf32, #tpu.memory_space<hbm>>)
        } else {
        }
        %add3A_426 = arith.constant 4 : i32
        %add3A_427 = arith.addi %add3A_139, %add3A_426 : i32
        %sub3A_428 = arith.constant 1 : i32
        %sub3A_429 = arith.subi %add3A_427, %sub3A_428 : i32
        %mul3A_430 = arith.constant 200 : i32
        %mul3A_431 = arith.muli %sub3A_429, %mul3A_430 : i32
        %dma_start3A_432 = arith.constant 0 : i32
        %dma_start3A_433 = arith.constant 0 : i32
        %dma_start3A_434 = tpu.memref_slice %arg8[%select_n3A_192, %dma_start3A_432, %dma_start3A_433] : memref<4x200x64xf32, #tpu.memory_space<vmem>> -> memref<1x200x64xf32, #tpu.memory_space<vmem>>
        %dma_start3A_435 = tpu.memref_squeeze %dma_start3A_434 : memref<1x200x64xf32, #tpu.memory_space<vmem>> -> memref<200x64xf32, #tpu.memory_space<vmem>>
        %dma_start3A_436 = tpu.memref_slice %arg6[%mul3A_431] : memref<25600xi32, #tpu.memory_space<vmem>> -> memref<200xi32, #tpu.memory_space<vmem>>
        %dma_start3A_437 = arith.constant 0 : i32
        %dma_start3A_438 = arith.constant 0 : i32
        %dma_start3A_439 = tpu.memref_slice %arg3[%dma_start3A_437, %dma_start3A_438] : memref<1000000x64xf32, #tpu.memory_space<hbm>> -> memref<1000000x64xf32, #tpu.memory_space<hbm>>
        %dma_start3A_440 = tpu.memref_slice %arg9[%select_n3A_192] : memref<4x!tpu.dma_semaphore, #tpu.memory_space<semaphore_mem>> -> memref<1x!tpu.dma_semaphore, #tpu.memory_space<semaphore_mem>>
        %dma_start3A_441 = tpu.memref_squeeze %dma_start3A_440 : memref<1x!tpu.dma_semaphore, #tpu.memory_space<semaphore_mem>> -> memref<!tpu.dma_semaphore, #tpu.memory_space<semaphore_mem>>
        tpu.enqueue_indirect_dma source(%dma_start3A_439 : memref<1000000x64xf32, #tpu.memory_space<hbm>>) target(%dma_start3A_435 : memref<200x64xf32, #tpu.memory_space<vmem>>) offsets(%dma_start3A_436 : memref<200xi32, #tpu.memory_space<vmem>>) semaphore(%dma_start3A_441 : memref<!tpu.dma_semaphore, #tpu.memory_space<semaphore_mem>>)
      } else {
      }
      %mul3A_200 = arith.constant 4 : i32
      %mul3A_201 = arith.muli %scan3A_135, %mul3A_200 : i32
      %add3A_202 = arith.constant 1 : i32
      %add3A_203 = arith.addi %mul3A_201, %add3A_202 : i32
      %mul3A_204 = arith.constant 200 : i32
      %mul3A_205 = arith.muli %add3A_203, %mul3A_204 : i32
      %dma_wait3A_206 = arith.constant 1 : i32
      %dma_wait3A_207 = arith.constant 1 : i32
      %dma_wait3A_208 = arith.constant 0 : i32
      %dma_wait3A_209 = arith.constant 0 : i32
      %dma_wait3A_210 = tpu.memref_slice %arg8[%dma_wait3A_206, %dma_wait3A_208, %dma_wait3A_209] : memref<4x200x64xf32, #tpu.memory_space<vmem>> -> memref<1x200x64xf32, #tpu.memory_space<vmem>>
      %dma_wait3A_211 = tpu.memref_squeeze %dma_wait3A_210 : memref<1x200x64xf32, #tpu.memory_space<vmem>> -> memref<200x64xf32, #tpu.memory_space<vmem>>
      %dma_wait3A_212 = tpu.memref_slice %arg6[%mul3A_205] : memref<25600xi32, #tpu.memory_space<vmem>> -> memref<200xi32, #tpu.memory_space<vmem>>
      %dma_wait3A_213 = arith.constant 0 : i32
      %dma_wait3A_214 = arith.constant 0 : i32
      %dma_wait3A_215 = tpu.memref_slice %arg3[%dma_wait3A_213, %dma_wait3A_214] : memref<1000000x64xf32, #tpu.memory_space<hbm>> -> memref<1000000x64xf32, #tpu.memory_space<hbm>>
      %dma_wait3A_216 = tpu.memref_slice %arg9[%dma_wait3A_207] : memref<4x!tpu.dma_semaphore, #tpu.memory_space<semaphore_mem>> -> memref<1x!tpu.dma_semaphore, #tpu.memory_space<semaphore_mem>>
      %dma_wait3A_217 = tpu.memref_squeeze %dma_wait3A_216 : memref<1x!tpu.dma_semaphore, #tpu.memory_space<semaphore_mem>> -> memref<!tpu.dma_semaphore, #tpu.memory_space<semaphore_mem>>
      tpu.wait_indirect_dma semaphore(%dma_wait3A_217 : memref<!tpu.dma_semaphore, #tpu.memory_space<semaphore_mem>>) src(%dma_wait3A_215 : memref<1000000x64xf32, #tpu.memory_space<hbm>>) dst(%dma_wait3A_211 : memref<200x64xf32, #tpu.memory_space<vmem>>)
      %scan3A_218 = arith.constant 0 : i32
      %scan3A_219 = arith.constant 0 : i32
      %scan3A_220 = arith.constant 200 : i32
      %scan3A_221 = arith.addi %scan3A_219, %scan3A_220 : i32
      %scan3A_222 = arith.constant 1 : i32
      scf.for %scan3A_422 = %scan3A_219 to %scan3A_221 step %scan3A_222  : i32 {
        %get3A = arith.constant 1 : i32
        %get3A_423 = arith.index_cast %get3A : i32 to index
        %get3A_424 = arith.index_cast %scan3A_422 : i32 to index
        %get3A_425 = arith.constant 0 : index
        %get3A_426 = tpu.vector_load %arg8[%get3A_423, %get3A_424, %get3A_425] {strides = array<i32>} : memref<4x200x64xf32, #tpu.memory_space<vmem>>, vector<1x1x16xf32>,
        %get3A_427 = vector.shape_cast %get3A_426 : vector<1x1x16xf32> to vector<16xf32>
        %get3A_428 = arith.index_cast %scan3A_422 : i32 to index
        %get3A_429 = arith.constant 0 : index
        %get3A_430 = tpu.vector_load %arg7[%get3A_428, %get3A_429] {strides = array<i32>} : memref<200x64xf32, #tpu.memory_space<vmem>>, vector<1x16xf32>,
        %get3A_431 = vector.shape_cast %get3A_430 : vector<1x16xf32> to vector<16xf32>
        %add3A_432 = arith.addf %get3A_427, %get3A_431 : vector<16xf32>
        %swap3A = arith.constant 1 : i32
        %swap3A_433 = arith.index_cast %swap3A : i32 to index
        %swap3A_434 = arith.index_cast %scan3A_422 : i32 to index
        %swap3A_435 = arith.constant 0 : index
        %swap3A_436 = tpu.vector_load %arg8[%swap3A_433, %swap3A_434, %swap3A_435] {strides = array<i32>} : memref<4x200x64xf32, #tpu.memory_space<vmem>>, vector<1x1x16xf32>,
        %swap3A_437 = vector.shape_cast %swap3A_436 : vector<1x1x16xf32> to vector<16xf32>
        %swap3A_438 = vector.shape_cast %add3A_432 : vector<16xf32> to vector<1x1x16xf32>
        tpu.vector_store %arg8[%swap3A_433, %swap3A_434, %swap3A_435], %swap3A_438 {strides = array<i32>} : memref<4x200x64xf32, #tpu.memory_space<vmem>>, vector<1x1x16xf32>,
        %get3A_439 = arith.constant 1 : i32
        %get3A_440 = arith.index_cast %get3A_439 : i32 to index
        %get3A_441 = arith.index_cast %scan3A_422 : i32 to index
        %get3A_442 = arith.constant 16 : index
        %get3A_443 = tpu.vector_load %arg8[%get3A_440, %get3A_441, %get3A_442] {strides = array<i32>} : memref<4x200x64xf32, #tpu.memory_space<vmem>>, vector<1x1x16xf32>,
        %get3A_444 = vector.shape_cast %get3A_443 : vector<1x1x16xf32> to vector<16xf32>
        %get3A_445 = arith.index_cast %scan3A_422 : i32 to index
        %get3A_446 = arith.constant 16 : index
        %get3A_447 = tpu.vector_load %arg7[%get3A_445, %get3A_446] {strides = array<i32>} : memref<200x64xf32, #tpu.memory_space<vmem>>, vector<1x16xf32>,
        %get3A_448 = vector.shape_cast %get3A_447 : vector<1x16xf32> to vector<16xf32>
        %add3A_449 = arith.addf %get3A_444, %get3A_448 : vector<16xf32>
        %swap3A_450 = arith.constant 1 : i32
        %swap3A_451 = arith.index_cast %swap3A_450 : i32 to index
        %swap3A_452 = arith.index_cast %scan3A_422 : i32 to index
        %swap3A_453 = arith.constant 16 : index
        %swap3A_454 = tpu.vector_load %arg8[%swap3A_451, %swap3A_452, %swap3A_453] {strides = array<i32>} : memref<4x200x64xf32, #tpu.memory_space<vmem>>, vector<1x1x16xf32>,
        %swap3A_455 = vector.shape_cast %swap3A_454 : vector<1x1x16xf32> to vector<16xf32>
        %swap3A_456 = vector.shape_cast %add3A_449 : vector<16xf32> to vector<1x1x16xf32>
        tpu.vector_store %arg8[%swap3A_451, %swap3A_452, %swap3A_453], %swap3A_456 {strides = array<i32>} : memref<4x200x64xf32, #tpu.memory_space<vmem>>, vector<1x1x16xf32>,
        %get3A_457 = arith.constant 1 : i32
        %get3A_458 = arith.index_cast %get3A_457 : i32 to index
        %get3A_459 = arith.index_cast %scan3A_422 : i32 to index
        %get3A_460 = arith.constant 32 : index
        %get3A_461 = tpu.vector_load %arg8[%get3A_458, %get3A_459, %get3A_460] {strides = array<i32>} : memref<4x200x64xf32, #tpu.memory_space<vmem>>, vector<1x1x16xf32>,
        %get3A_462 = vector.shape_cast %get3A_461 : vector<1x1x16xf32> to vector<16xf32>
        %get3A_463 = arith.index_cast %scan3A_422 : i32 to index
        %get3A_464 = arith.constant 32 : index
        %get3A_465 = tpu.vector_load %arg7[%get3A_463, %get3A_464] {strides = array<i32>} : memref<200x64xf32, #tpu.memory_space<vmem>>, vector<1x16xf32>,
        %get3A_466 = vector.shape_cast %get3A_465 : vector<1x16xf32> to vector<16xf32>
        %add3A_467 = arith.addf %get3A_462, %get3A_466 : vector<16xf32>
        %swap3A_468 = arith.constant 1 : i32
        %swap3A_469 = arith.index_cast %swap3A_468 : i32 to index
        %swap3A_470 = arith.index_cast %scan3A_422 : i32 to index
        %swap3A_471 = arith.constant 32 : index
        %swap3A_472 = tpu.vector_load %arg8[%swap3A_469, %swap3A_470, %swap3A_471] {strides = array<i32>} : memref<4x200x64xf32, #tpu.memory_space<vmem>>, vector<1x1x16xf32>,
        %swap3A_473 = vector.shape_cast %swap3A_472 : vector<1x1x16xf32> to vector<16xf32>
        %swap3A_474 = vector.shape_cast %add3A_467 : vector<16xf32> to vector<1x1x16xf32>
        tpu.vector_store %arg8[%swap3A_469, %swap3A_470, %swap3A_471], %swap3A_474 {strides = array<i32>} : memref<4x200x64xf32, #tpu.memory_space<vmem>>, vector<1x1x16xf32>,
        %get3A_475 = arith.constant 1 : i32
        %get3A_476 = arith.index_cast %get3A_475 : i32 to index
        %get3A_477 = arith.index_cast %scan3A_422 : i32 to index
        %get3A_478 = arith.constant 48 : index
        %get3A_479 = tpu.vector_load %arg8[%get3A_476, %get3A_477, %get3A_478] {strides = array<i32>} : memref<4x200x64xf32, #tpu.memory_space<vmem>>, vector<1x1x16xf32>,
        %get3A_480 = vector.shape_cast %get3A_479 : vector<1x1x16xf32> to vector<16xf32>
        %get3A_481 = arith.index_cast %scan3A_422 : i32 to index
        %get3A_482 = arith.constant 48 : index
        %get3A_483 = tpu.vector_load %arg7[%get3A_481, %get3A_482] {strides = array<i32>} : memref<200x64xf32, #tpu.memory_space<vmem>>, vector<1x16xf32>,
        %get3A_484 = vector.shape_cast %get3A_483 : vector<1x16xf32> to vector<16xf32>
        %add3A_485 = arith.addf %get3A_480, %get3A_484 : vector<16xf32>
        %swap3A_486 = arith.constant 1 : i32
        %swap3A_487 = arith.index_cast %swap3A_486 : i32 to index
        %swap3A_488 = arith.index_cast %scan3A_422 : i32 to index
        %swap3A_489 = arith.constant 48 : index
        %swap3A_490 = tpu.vector_load %arg8[%swap3A_487, %swap3A_488, %swap3A_489] {strides = array<i32>} : memref<4x200x64xf32, #tpu.memory_space<vmem>>, vector<1x1x16xf32>,
        %swap3A_491 = vector.shape_cast %swap3A_490 : vector<1x1x16xf32> to vector<16xf32>
        %swap3A_492 = vector.shape_cast %add3A_485 : vector<16xf32> to vector<1x1x16xf32>
        tpu.vector_store %arg8[%swap3A_487, %swap3A_488, %swap3A_489], %swap3A_492 {strides = array<i32>} : memref<4x200x64xf32, #tpu.memory_space<vmem>>, vector<1x1x16xf32>,
      }
      %scan3A_223 = arith.constant 200 : i32
      %add3A_224 = arith.addi %mul3A_4, %add3A_203 : i32
      %dma_start3A_225 = arith.constant 1 : i32
      %dma_start3A_226 = arith.constant 1 : i32
      %dma_start3A_227 = arith.constant 0 : i32
      %dma_start3A_228 = arith.constant 0 : i32
      %dma_start3A_229 = tpu.memref_slice %arg8[%dma_start3A_225, %dma_start3A_227, %dma_start3A_228] : memref<4x200x64xf32, #tpu.memory_space<vmem>> -> memref<1x200x64xf32, #tpu.memory_space<vmem>>
      %dma_start3A_230 = tpu.memref_squeeze %dma_start3A_229 : memref<1x200x64xf32, #tpu.memory_space<vmem>> -> memref<200x64xf32, #tpu.memory_space<vmem>>
      %dma_start3A_231 = arith.constant 0 : i32
      %dma_start3A_232 = arith.constant 0 : i32
      %dma_start3A_233 = tpu.memref_slice %arg5[%add3A_224, %dma_start3A_231, %dma_start3A_232] : memref<4096x200x64xf32, #tpu.memory_space<hbm>> -> memref<1x200x64xf32, #tpu.memory_space<hbm>>
      %dma_start3A_234 = tpu.memref_squeeze %dma_start3A_233 : memref<1x200x64xf32, #tpu.memory_space<hbm>> -> memref<200x64xf32, #tpu.memory_space<hbm>>
      %dma_start3A_235 = tpu.memref_slice %arg10[%dma_start3A_226] : memref<4x!tpu.dma_semaphore, #tpu.memory_space<semaphore_mem>> -> memref<1x!tpu.dma_semaphore, #tpu.memory_space<semaphore_mem>>
      %dma_start3A_236 = tpu.memref_squeeze %dma_start3A_235 : memref<1x!tpu.dma_semaphore, #tpu.memory_space<semaphore_mem>> -> memref<!tpu.dma_semaphore, #tpu.memory_space<semaphore_mem>>
      %dma_start3A_237 = arith.constant 0 : i32
      %dma_start3A_238 = arith.constant 0 : i32
      %dma_start3A_239 = tpu.memref_slice %arg5[%add3A_224, %dma_start3A_237, %dma_start3A_238] : memref<4096x200x64xf32, #tpu.memory_space<hbm>> -> memref<1x200x64xf32, #tpu.memory_space<hbm>>
      %dma_start3A_240 = tpu.memref_squeeze %dma_start3A_239 : memref<1x200x64xf32, #tpu.memory_space<hbm>> -> memref<200x64xf32, #tpu.memory_space<hbm>>
      %dma_start3A_241 = arith.constant 0 : i32
      %dma_start3A_242 = arith.constant 0 : i32
      %dma_start3A_243 = tpu.memref_slice %arg8[%dma_start3A_225, %dma_start3A_241, %dma_start3A_242] : memref<4x200x64xf32, #tpu.memory_space<vmem>> -> memref<1x200x64xf32, #tpu.memory_space<vmem>>
      %dma_start3A_244 = tpu.memref_squeeze %dma_start3A_243 : memref<1x200x64xf32, #tpu.memory_space<vmem>> -> memref<200x64xf32, #tpu.memory_space<vmem>>
      tpu.enqueue_dma source(%dma_start3A_244 : memref<200x64xf32, #tpu.memory_space<vmem>>) target(%dma_start3A_240 : memref<200x64xf32, #tpu.memory_space<hbm>>) target_semaphore(%dma_start3A_236 : memref<!tpu.dma_semaphore, #tpu.memory_space<semaphore_mem>>)
      %add3A_245 = arith.constant 4 : i32
      %add3A_246 = arith.addi %add3A_203, %add3A_245 : i32
      %sub3A_247 = arith.constant 1 : i32
      %sub3A_248 = arith.subi %add3A_246, %sub3A_247 : i32
      %jit3A_249 = arith.constant 4 : i32
      %eq3A_250 = arith.constant 0 : i32
      %eq3A_251 = arith.cmpi eq, %jit3A_249, %eq3A_250 : i32
      %jit3A_252 = arith.constant 1 : i32
      %select_n3A_253 = arith.select %eq3A_251, %jit3A_252, %jit3A_249 : i32
      %rem3A_254 = arith.remsi %sub3A_248, %select_n3A_253 : i32
      %ne3A_255 = arith.constant 0 : i32
      %ne3A_256 = arith.cmpi ne, %rem3A_254, %ne3A_255 : i32
      %lt3A_257 = arith.constant 0 : i32
      %lt3A_258 = arith.cmpi slt, %rem3A_254, %lt3A_257 : i32
      %lt3A_259 = arith.constant 0 : i32
      %lt3A_260 = arith.cmpi slt, %select_n3A_253, %lt3A_259 : i32
      %ne3A_261 = arith.xori %lt3A_258, %lt3A_260 : i1
      %and3A_262 = arith.andi %ne3A_261, %ne3A_256 : i1
      %add3A_263 = arith.addi %rem3A_254, %select_n3A_253 : i32
      %select_n3A_264 = arith.select %and3A_262, %add3A_263, %rem3A_254 : i32
      %add3A_265 = arith.constant 4 : i32
      %add3A_266 = arith.addi %add3A_203, %add3A_265 : i32
      %sub3A_267 = arith.constant 1 : i32
      %sub3A_268 = arith.subi %add3A_266, %sub3A_267 : i32
      %lt3A_269 = arith.constant 128 : i32
      %lt3A_270 = arith.cmpi slt, %sub3A_268, %lt3A_269 : i32
      %convert_element_type3A_271 = arith.extui %lt3A_270 : i1 to i32
      %cond3A_272 = arith.constant 0 : i32
      %cond3A_273 = arith.cmpi ne, %convert_element_type3A_271, %cond3A_272 : i32
      scf.if %cond3A_273 {
        %gt3A = arith.constant 0 : i32
        %gt3A_422 = arith.cmpi sgt, %add3A_203, %gt3A : i32
        %convert_element_type3A_423 = arith.extui %gt3A_422 : i1 to i32
        %cond3A_424 = arith.constant 0 : i32
        %cond3A_425 = arith.cmpi ne, %convert_element_type3A_423, %cond3A_424 : i32
        scf.if %cond3A_425 {
          %sub3A_442 = arith.constant 1 : i32
          %sub3A_443 = arith.subi %add3A_203, %sub3A_442 : i32
          %add3A_444 = arith.addi %mul3A_4, %sub3A_443 : i32
          %dma_wait3A_445 = arith.constant 0 : i32
          %dma_wait3A_446 = arith.constant 0 : i32
          %dma_wait3A_447 = tpu.memref_slice %arg8[%select_n3A_264, %dma_wait3A_445, %dma_wait3A_446] : memref<4x200x64xf32, #tpu.memory_space<vmem>> -> memref<1x200x64xf32, #tpu.memory_space<vmem>>
          %dma_wait3A_448 = tpu.memref_squeeze %dma_wait3A_447 : memref<1x200x64xf32, #tpu.memory_space<vmem>> -> memref<200x64xf32, #tpu.memory_space<vmem>>
          %dma_wait3A_449 = arith.constant 0 : i32
          %dma_wait3A_450 = arith.constant 0 : i32
          %dma_wait3A_451 = tpu.memref_slice %arg5[%add3A_444, %dma_wait3A_449, %dma_wait3A_450] : memref<4096x200x64xf32, #tpu.memory_space<hbm>> -> memref<1x200x64xf32, #tpu.memory_space<hbm>>
          %dma_wait3A_452 = tpu.memref_squeeze %dma_wait3A_451 : memref<1x200x64xf32, #tpu.memory_space<hbm>> -> memref<200x64xf32, #tpu.memory_space<hbm>>
          %dma_wait3A_453 = tpu.memref_slice %arg10[%select_n3A_264] : memref<4x!tpu.dma_semaphore, #tpu.memory_space<semaphore_mem>> -> memref<1x!tpu.dma_semaphore, #tpu.memory_space<semaphore_mem>>
          %dma_wait3A_454 = tpu.memref_squeeze %dma_wait3A_453 : memref<1x!tpu.dma_semaphore, #tpu.memory_space<semaphore_mem>> -> memref<!tpu.dma_semaphore, #tpu.memory_space<semaphore_mem>>
          %dma_wait3A_455 = arith.constant 0 : i32
          %dma_wait3A_456 = arith.constant 0 : i32
          %dma_wait3A_457 = tpu.memref_slice %arg5[%add3A_444, %dma_wait3A_455, %dma_wait3A_456] : memref<4096x200x64xf32, #tpu.memory_space<hbm>> -> memref<1x200x64xf32, #tpu.memory_space<hbm>>
          %dma_wait3A_458 = tpu.memref_squeeze %dma_wait3A_457 : memref<1x200x64xf32, #tpu.memory_space<hbm>> -> memref<200x64xf32, #tpu.memory_space<hbm>>
          %dma_wait3A_459 = arith.constant 0 : i32
          %dma_wait3A_460 = arith.constant 0 : i32
          %dma_wait3A_461 = tpu.memref_slice %arg8[%select_n3A_264, %dma_wait3A_459, %dma_wait3A_460] : memref<4x200x64xf32, #tpu.memory_space<vmem>> -> memref<1x200x64xf32, #tpu.memory_space<vmem>>
          %dma_wait3A_462 = tpu.memref_squeeze %dma_wait3A_461 : memref<1x200x64xf32, #tpu.memory_space<vmem>> -> memref<200x64xf32, #tpu.memory_space<vmem>>
          tpu.wait_dma2 semaphore(%dma_wait3A_454 : memref<!tpu.dma_semaphore, #tpu.memory_space<semaphore_mem>>) src(%dma_wait3A_462 : memref<200x64xf32, #tpu.memory_space<vmem>>) dst(%dma_wait3A_458 : memref<200x64xf32, #tpu.memory_space<hbm>>)
        } else {
        }
        %add3A_426 = arith.constant 4 : i32
        %add3A_427 = arith.addi %add3A_203, %add3A_426 : i32
        %sub3A_428 = arith.constant 1 : i32
        %sub3A_429 = arith.subi %add3A_427, %sub3A_428 : i32
        %mul3A_430 = arith.constant 200 : i32
        %mul3A_431 = arith.muli %sub3A_429, %mul3A_430 : i32
        %dma_start3A_432 = arith.constant 0 : i32
        %dma_start3A_433 = arith.constant 0 : i32
        %dma_start3A_434 = tpu.memref_slice %arg8[%select_n3A_264, %dma_start3A_432, %dma_start3A_433] : memref<4x200x64xf32, #tpu.memory_space<vmem>> -> memref<1x200x64xf32, #tpu.memory_space<vmem>>
        %dma_start3A_435 = tpu.memref_squeeze %dma_start3A_434 : memref<1x200x64xf32, #tpu.memory_space<vmem>> -> memref<200x64xf32, #tpu.memory_space<vmem>>
        %dma_start3A_436 = tpu.memref_slice %arg6[%mul3A_431] : memref<25600xi32, #tpu.memory_space<vmem>> -> memref<200xi32, #tpu.memory_space<vmem>>
        %dma_start3A_437 = arith.constant 0 : i32
        %dma_start3A_438 = arith.constant 0 : i32
        %dma_start3A_439 = tpu.memref_slice %arg3[%dma_start3A_437, %dma_start3A_438] : memref<1000000x64xf32, #tpu.memory_space<hbm>> -> memref<1000000x64xf32, #tpu.memory_space<hbm>>
        %dma_start3A_440 = tpu.memref_slice %arg9[%select_n3A_264] : memref<4x!tpu.dma_semaphore, #tpu.memory_space<semaphore_mem>> -> memref<1x!tpu.dma_semaphore, #tpu.memory_space<semaphore_mem>>
        %dma_start3A_441 = tpu.memref_squeeze %dma_start3A_440 : memref<1x!tpu.dma_semaphore, #tpu.memory_space<semaphore_mem>> -> memref<!tpu.dma_semaphore, #tpu.memory_space<semaphore_mem>>
        tpu.enqueue_indirect_dma source(%dma_start3A_439 : memref<1000000x64xf32, #tpu.memory_space<hbm>>) target(%dma_start3A_435 : memref<200x64xf32, #tpu.memory_space<vmem>>) offsets(%dma_start3A_436 : memref<200xi32, #tpu.memory_space<vmem>>) semaphore(%dma_start3A_441 : memref<!tpu.dma_semaphore, #tpu.memory_space<semaphore_mem>>)
      } else {
      }
      %mul3A_274 = arith.constant 4 : i32
      %mul3A_275 = arith.muli %scan3A_135, %mul3A_274 : i32
      %add3A_276 = arith.constant 2 : i32
      %add3A_277 = arith.addi %mul3A_275, %add3A_276 : i32
      %mul3A_278 = arith.constant 200 : i32
      %mul3A_279 = arith.muli %add3A_277, %mul3A_278 : i32
      %dma_wait3A_280 = arith.constant 2 : i32
      %dma_wait3A_281 = arith.constant 2 : i32
      %dma_wait3A_282 = arith.constant 0 : i32
      %dma_wait3A_283 = arith.constant 0 : i32
      %dma_wait3A_284 = tpu.memref_slice %arg8[%dma_wait3A_280, %dma_wait3A_282, %dma_wait3A_283] : memref<4x200x64xf32, #tpu.memory_space<vmem>> -> memref<1x200x64xf32, #tpu.memory_space<vmem>>
      %dma_wait3A_285 = tpu.memref_squeeze %dma_wait3A_284 : memref<1x200x64xf32, #tpu.memory_space<vmem>> -> memref<200x64xf32, #tpu.memory_space<vmem>>
      %dma_wait3A_286 = tpu.memref_slice %arg6[%mul3A_279] : memref<25600xi32, #tpu.memory_space<vmem>> -> memref<200xi32, #tpu.memory_space<vmem>>
      %dma_wait3A_287 = arith.constant 0 : i32
      %dma_wait3A_288 = arith.constant 0 : i32
      %dma_wait3A_289 = tpu.memref_slice %arg3[%dma_wait3A_287, %dma_wait3A_288] : memref<1000000x64xf32, #tpu.memory_space<hbm>> -> memref<1000000x64xf32, #tpu.memory_space<hbm>>
      %dma_wait3A_290 = tpu.memref_slice %arg9[%dma_wait3A_281] : memref<4x!tpu.dma_semaphore, #tpu.memory_space<semaphore_mem>> -> memref<1x!tpu.dma_semaphore, #tpu.memory_space<semaphore_mem>>
      %dma_wait3A_291 = tpu.memref_squeeze %dma_wait3A_290 : memref<1x!tpu.dma_semaphore, #tpu.memory_space<semaphore_mem>> -> memref<!tpu.dma_semaphore, #tpu.memory_space<semaphore_mem>>
      tpu.wait_indirect_dma semaphore(%dma_wait3A_291 : memref<!tpu.dma_semaphore, #tpu.memory_space<semaphore_mem>>) src(%dma_wait3A_289 : memref<1000000x64xf32, #tpu.memory_space<hbm>>) dst(%dma_wait3A_285 : memref<200x64xf32, #tpu.memory_space<vmem>>)
      %scan3A_292 = arith.constant 0 : i32
      %scan3A_293 = arith.constant 0 : i32
      %scan3A_294 = arith.constant 200 : i32
      %scan3A_295 = arith.addi %scan3A_293, %scan3A_294 : i32
      %scan3A_296 = arith.constant 1 : i32
      scf.for %scan3A_422 = %scan3A_293 to %scan3A_295 step %scan3A_296  : i32 {
        %get3A = arith.constant 2 : i32
        %get3A_423 = arith.index_cast %get3A : i32 to index
        %get3A_424 = arith.index_cast %scan3A_422 : i32 to index
        %get3A_425 = arith.constant 0 : index
        %get3A_426 = tpu.vector_load %arg8[%get3A_423, %get3A_424, %get3A_425] {strides = array<i32>} : memref<4x200x64xf32, #tpu.memory_space<vmem>>, vector<1x1x16xf32>,
        %get3A_427 = vector.shape_cast %get3A_426 : vector<1x1x16xf32> to vector<16xf32>
        %get3A_428 = arith.index_cast %scan3A_422 : i32 to index
        %get3A_429 = arith.constant 0 : index
        %get3A_430 = tpu.vector_load %arg7[%get3A_428, %get3A_429] {strides = array<i32>} : memref<200x64xf32, #tpu.memory_space<vmem>>, vector<1x16xf32>,
        %get3A_431 = vector.shape_cast %get3A_430 : vector<1x16xf32> to vector<16xf32>
        %add3A_432 = arith.addf %get3A_427, %get3A_431 : vector<16xf32>
        %swap3A = arith.constant 2 : i32
        %swap3A_433 = arith.index_cast %swap3A : i32 to index
        %swap3A_434 = arith.index_cast %scan3A_422 : i32 to index
        %swap3A_435 = arith.constant 0 : index
        %swap3A_436 = tpu.vector_load %arg8[%swap3A_433, %swap3A_434, %swap3A_435] {strides = array<i32>} : memref<4x200x64xf32, #tpu.memory_space<vmem>>, vector<1x1x16xf32>,
        %swap3A_437 = vector.shape_cast %swap3A_436 : vector<1x1x16xf32> to vector<16xf32>
        %swap3A_438 = vector.shape_cast %add3A_432 : vector<16xf32> to vector<1x1x16xf32>
        tpu.vector_store %arg8[%swap3A_433, %swap3A_434, %swap3A_435], %swap3A_438 {strides = array<i32>} : memref<4x200x64xf32, #tpu.memory_space<vmem>>, vector<1x1x16xf32>,
        %get3A_439 = arith.constant 2 : i32
        %get3A_440 = arith.index_cast %get3A_439 : i32 to index
        %get3A_441 = arith.index_cast %scan3A_422 : i32 to index
        %get3A_442 = arith.constant 16 : index
        %get3A_443 = tpu.vector_load %arg8[%get3A_440, %get3A_441, %get3A_442] {strides = array<i32>} : memref<4x200x64xf32, #tpu.memory_space<vmem>>, vector<1x1x16xf32>,
        %get3A_444 = vector.shape_cast %get3A_443 : vector<1x1x16xf32> to vector<16xf32>
        %get3A_445 = arith.index_cast %scan3A_422 : i32 to index
        %get3A_446 = arith.constant 16 : index
        %get3A_447 = tpu.vector_load %arg7[%get3A_445, %get3A_446] {strides = array<i32>} : memref<200x64xf32, #tpu.memory_space<vmem>>, vector<1x16xf32>,
        %get3A_448 = vector.shape_cast %get3A_447 : vector<1x16xf32> to vector<16xf32>
        %add3A_449 = arith.addf %get3A_444, %get3A_448 : vector<16xf32>
        %swap3A_450 = arith.constant 2 : i32
        %swap3A_451 = arith.index_cast %swap3A_450 : i32 to index
        %swap3A_452 = arith.index_cast %scan3A_422 : i32 to index
        %swap3A_453 = arith.constant 16 : index
        %swap3A_454 = tpu.vector_load %arg8[%swap3A_451, %swap3A_452, %swap3A_453] {strides = array<i32>} : memref<4x200x64xf32, #tpu.memory_space<vmem>>, vector<1x1x16xf32>,
        %swap3A_455 = vector.shape_cast %swap3A_454 : vector<1x1x16xf32> to vector<16xf32>
        %swap3A_456 = vector.shape_cast %add3A_449 : vector<16xf32> to vector<1x1x16xf32>
        tpu.vector_store %arg8[%swap3A_451, %swap3A_452, %swap3A_453], %swap3A_456 {strides = array<i32>} : memref<4x200x64xf32, #tpu.memory_space<vmem>>, vector<1x1x16xf32>,
        %get3A_457 = arith.constant 2 : i32
        %get3A_458 = arith.index_cast %get3A_457 : i32 to index
        %get3A_459 = arith.index_cast %scan3A_422 : i32 to index
        %get3A_460 = arith.constant 32 : index
        %get3A_461 = tpu.vector_load %arg8[%get3A_458, %get3A_459, %get3A_460] {strides = array<i32>} : memref<4x200x64xf32, #tpu.memory_space<vmem>>, vector<1x1x16xf32>,
        %get3A_462 = vector.shape_cast %get3A_461 : vector<1x1x16xf32> to vector<16xf32>
        %get3A_463 = arith.index_cast %scan3A_422 : i32 to index
        %get3A_464 = arith.constant 32 : index
        %get3A_465 = tpu.vector_load %arg7[%get3A_463, %get3A_464] {strides = array<i32>} : memref<200x64xf32, #tpu.memory_space<vmem>>, vector<1x16xf32>,
        %get3A_466 = vector.shape_cast %get3A_465 : vector<1x16xf32> to vector<16xf32>
        %add3A_467 = arith.addf %get3A_462, %get3A_466 : vector<16xf32>
        %swap3A_468 = arith.constant 2 : i32
        %swap3A_469 = arith.index_cast %swap3A_468 : i32 to index
        %swap3A_470 = arith.index_cast %scan3A_422 : i32 to index
        %swap3A_471 = arith.constant 32 : index
        %swap3A_472 = tpu.vector_load %arg8[%swap3A_469, %swap3A_470, %swap3A_471] {strides = array<i32>} : memref<4x200x64xf32, #tpu.memory_space<vmem>>, vector<1x1x16xf32>,
        %swap3A_473 = vector.shape_cast %swap3A_472 : vector<1x1x16xf32> to vector<16xf32>
        %swap3A_474 = vector.shape_cast %add3A_467 : vector<16xf32> to vector<1x1x16xf32>
        tpu.vector_store %arg8[%swap3A_469, %swap3A_470, %swap3A_471], %swap3A_474 {strides = array<i32>} : memref<4x200x64xf32, #tpu.memory_space<vmem>>, vector<1x1x16xf32>,
        %get3A_475 = arith.constant 2 : i32
        %get3A_476 = arith.index_cast %get3A_475 : i32 to index
        %get3A_477 = arith.index_cast %scan3A_422 : i32 to index
        %get3A_478 = arith.constant 48 : index
        %get3A_479 = tpu.vector_load %arg8[%get3A_476, %get3A_477, %get3A_478] {strides = array<i32>} : memref<4x200x64xf32, #tpu.memory_space<vmem>>, vector<1x1x16xf32>,
        %get3A_480 = vector.shape_cast %get3A_479 : vector<1x1x16xf32> to vector<16xf32>
        %get3A_481 = arith.index_cast %scan3A_422 : i32 to index
        %get3A_482 = arith.constant 48 : index
        %get3A_483 = tpu.vector_load %arg7[%get3A_481, %get3A_482] {strides = array<i32>} : memref<200x64xf32, #tpu.memory_space<vmem>>, vector<1x16xf32>,
        %get3A_484 = vector.shape_cast %get3A_483 : vector<1x16xf32> to vector<16xf32>
        %add3A_485 = arith.addf %get3A_480, %get3A_484 : vector<16xf32>
        %swap3A_486 = arith.constant 2 : i32
        %swap3A_487 = arith.index_cast %swap3A_486 : i32 to index
        %swap3A_488 = arith.index_cast %scan3A_422 : i32 to index
        %swap3A_489 = arith.constant 48 : index
        %swap3A_490 = tpu.vector_load %arg8[%swap3A_487, %swap3A_488, %swap3A_489] {strides = array<i32>} : memref<4x200x64xf32, #tpu.memory_space<vmem>>, vector<1x1x16xf32>,
        %swap3A_491 = vector.shape_cast %swap3A_490 : vector<1x1x16xf32> to vector<16xf32>
        %swap3A_492 = vector.shape_cast %add3A_485 : vector<16xf32> to vector<1x1x16xf32>
        tpu.vector_store %arg8[%swap3A_487, %swap3A_488, %swap3A_489], %swap3A_492 {strides = array<i32>} : memref<4x200x64xf32, #tpu.memory_space<vmem>>, vector<1x1x16xf32>,
      }
      %scan3A_297 = arith.constant 200 : i32
      %add3A_298 = arith.addi %mul3A_4, %add3A_277 : i32
      %dma_start3A_299 = arith.constant 2 : i32
      %dma_start3A_300 = arith.constant 2 : i32
      %dma_start3A_301 = arith.constant 0 : i32
      %dma_start3A_302 = arith.constant 0 : i32
      %dma_start3A_303 = tpu.memref_slice %arg8[%dma_start3A_299, %dma_start3A_301, %dma_start3A_302] : memref<4x200x64xf32, #tpu.memory_space<vmem>> -> memref<1x200x64xf32, #tpu.memory_space<vmem>>
      %dma_start3A_304 = tpu.memref_squeeze %dma_start3A_303 : memref<1x200x64xf32, #tpu.memory_space<vmem>> -> memref<200x64xf32, #tpu.memory_space<vmem>>
      %dma_start3A_305 = arith.constant 0 : i32
      %dma_start3A_306 = arith.constant 0 : i32
      %dma_start3A_307 = tpu.memref_slice %arg5[%add3A_298, %dma_start3A_305, %dma_start3A_306] : memref<4096x200x64xf32, #tpu.memory_space<hbm>> -> memref<1x200x64xf32, #tpu.memory_space<hbm>>
      %dma_start3A_308 = tpu.memref_squeeze %dma_start3A_307 : memref<1x200x64xf32, #tpu.memory_space<hbm>> -> memref<200x64xf32, #tpu.memory_space<hbm>>
      %dma_start3A_309 = tpu.memref_slice %arg10[%dma_start3A_300] : memref<4x!tpu.dma_semaphore, #tpu.memory_space<semaphore_mem>> -> memref<1x!tpu.dma_semaphore, #tpu.memory_space<semaphore_mem>>
      %dma_start3A_310 = tpu.memref_squeeze %dma_start3A_309 : memref<1x!tpu.dma_semaphore, #tpu.memory_space<semaphore_mem>> -> memref<!tpu.dma_semaphore, #tpu.memory_space<semaphore_mem>>
      %dma_start3A_311 = arith.constant 0 : i32
      %dma_start3A_312 = arith.constant 0 : i32
      %dma_start3A_313 = tpu.memref_slice %arg5[%add3A_298, %dma_start3A_311, %dma_start3A_312] : memref<4096x200x64xf32, #tpu.memory_space<hbm>> -> memref<1x200x64xf32, #tpu.memory_space<hbm>>
      %dma_start3A_314 = tpu.memref_squeeze %dma_start3A_313 : memref<1x200x64xf32, #tpu.memory_space<hbm>> -> memref<200x64xf32, #tpu.memory_space<hbm>>
      %dma_start3A_315 = arith.constant 0 : i32
      %dma_start3A_316 = arith.constant 0 : i32
      %dma_start3A_317 = tpu.memref_slice %arg8[%dma_start3A_299, %dma_start3A_315, %dma_start3A_316] : memref<4x200x64xf32, #tpu.memory_space<vmem>> -> memref<1x200x64xf32, #tpu.memory_space<vmem>>
      %dma_start3A_318 = tpu.memref_squeeze %dma_start3A_317 : memref<1x200x64xf32, #tpu.memory_space<vmem>> -> memref<200x64xf32, #tpu.memory_space<vmem>>
      tpu.enqueue_dma source(%dma_start3A_318 : memref<200x64xf32, #tpu.memory_space<vmem>>) target(%dma_start3A_314 : memref<200x64xf32, #tpu.memory_space<hbm>>) target_semaphore(%dma_start3A_310 : memref<!tpu.dma_semaphore, #tpu.memory_space<semaphore_mem>>)
      %add3A_319 = arith.constant 4 : i32
      %add3A_320 = arith.addi %add3A_277, %add3A_319 : i32
      %sub3A_321 = arith.constant 1 : i32
      %sub3A_322 = arith.subi %add3A_320, %sub3A_321 : i32
      %jit3A_323 = arith.constant 4 : i32
      %eq3A_324 = arith.constant 0 : i32
      %eq3A_325 = arith.cmpi eq, %jit3A_323, %eq3A_324 : i32
      %jit3A_326 = arith.constant 1 : i32
      %select_n3A_327 = arith.select %eq3A_325, %jit3A_326, %jit3A_323 : i32
      %rem3A_328 = arith.remsi %sub3A_322, %select_n3A_327 : i32
      %ne3A_329 = arith.constant 0 : i32
      %ne3A_330 = arith.cmpi ne, %rem3A_328, %ne3A_329 : i32
      %lt3A_331 = arith.constant 0 : i32
      %lt3A_332 = arith.cmpi slt, %rem3A_328, %lt3A_331 : i32
      %lt3A_333 = arith.constant 0 : i32
      %lt3A_334 = arith.cmpi slt, %select_n3A_327, %lt3A_333 : i32
      %ne3A_335 = arith.xori %lt3A_332, %lt3A_334 : i1
      %and3A_336 = arith.andi %ne3A_335, %ne3A_330 : i1
      %add3A_337 = arith.addi %rem3A_328, %select_n3A_327 : i32
      %select_n3A_338 = arith.select %and3A_336, %add3A_337, %rem3A_328 : i32
      %add3A_339 = arith.constant 4 : i32
      %add3A_340 = arith.addi %add3A_277, %add3A_339 : i32
      %sub3A_341 = arith.constant 1 : i32
      %sub3A_342 = arith.subi %add3A_340, %sub3A_341 : i32
      %lt3A_343 = arith.constant 128 : i32
      %lt3A_344 = arith.cmpi slt, %sub3A_342, %lt3A_343 : i32
      %convert_element_type3A_345 = arith.extui %lt3A_344 : i1 to i32
      %cond3A_346 = arith.constant 0 : i32
      %cond3A_347 = arith.cmpi ne, %convert_element_type3A_345, %cond3A_346 : i32
      scf.if %cond3A_347 {
        %gt3A = arith.constant 0 : i32
        %gt3A_422 = arith.cmpi sgt, %add3A_277, %gt3A : i32
        %convert_element_type3A_423 = arith.extui %gt3A_422 : i1 to i32
        %cond3A_424 = arith.constant 0 : i32
        %cond3A_425 = arith.cmpi ne, %convert_element_type3A_423, %cond3A_424 : i32
        scf.if %cond3A_425 {
          %sub3A_442 = arith.constant 1 : i32
          %sub3A_443 = arith.subi %add3A_277, %sub3A_442 : i32
          %add3A_444 = arith.addi %mul3A_4, %sub3A_443 : i32
          %dma_wait3A_445 = arith.constant 0 : i32
          %dma_wait3A_446 = arith.constant 0 : i32
          %dma_wait3A_447 = tpu.memref_slice %arg8[%select_n3A_338, %dma_wait3A_445, %dma_wait3A_446] : memref<4x200x64xf32, #tpu.memory_space<vmem>> -> memref<1x200x64xf32, #tpu.memory_space<vmem>>
          %dma_wait3A_448 = tpu.memref_squeeze %dma_wait3A_447 : memref<1x200x64xf32, #tpu.memory_space<vmem>> -> memref<200x64xf32, #tpu.memory_space<vmem>>
          %dma_wait3A_449 = arith.constant 0 : i32
          %dma_wait3A_450 = arith.constant 0 : i32
          %dma_wait3A_451 = tpu.memref_slice %arg5[%add3A_444, %dma_wait3A_449, %dma_wait3A_450] : memref<4096x200x64xf32, #tpu.memory_space<hbm>> -> memref<1x200x64xf32, #tpu.memory_space<hbm>>
          %dma_wait3A_452 = tpu.memref_squeeze %dma_wait3A_451 : memref<1x200x64xf32, #tpu.memory_space<hbm>> -> memref<200x64xf32, #tpu.memory_space<hbm>>
          %dma_wait3A_453 = tpu.memref_slice %arg10[%select_n3A_338] : memref<4x!tpu.dma_semaphore, #tpu.memory_space<semaphore_mem>> -> memref<1x!tpu.dma_semaphore, #tpu.memory_space<semaphore_mem>>
          %dma_wait3A_454 = tpu.memref_squeeze %dma_wait3A_453 : memref<1x!tpu.dma_semaphore, #tpu.memory_space<semaphore_mem>> -> memref<!tpu.dma_semaphore, #tpu.memory_space<semaphore_mem>>
          %dma_wait3A_455 = arith.constant 0 : i32
          %dma_wait3A_456 = arith.constant 0 : i32
          %dma_wait3A_457 = tpu.memref_slice %arg5[%add3A_444, %dma_wait3A_455, %dma_wait3A_456] : memref<4096x200x64xf32, #tpu.memory_space<hbm>> -> memref<1x200x64xf32, #tpu.memory_space<hbm>>
          %dma_wait3A_458 = tpu.memref_squeeze %dma_wait3A_457 : memref<1x200x64xf32, #tpu.memory_space<hbm>> -> memref<200x64xf32, #tpu.memory_space<hbm>>
          %dma_wait3A_459 = arith.constant 0 : i32
          %dma_wait3A_460 = arith.constant 0 : i32
          %dma_wait3A_461 = tpu.memref_slice %arg8[%select_n3A_338, %dma_wait3A_459, %dma_wait3A_460] : memref<4x200x64xf32, #tpu.memory_space<vmem>> -> memref<1x200x64xf32, #tpu.memory_space<vmem>>
          %dma_wait3A_462 = tpu.memref_squeeze %dma_wait3A_461 : memref<1x200x64xf32, #tpu.memory_space<vmem>> -> memref<200x64xf32, #tpu.memory_space<vmem>>
          tpu.wait_dma2 semaphore(%dma_wait3A_454 : memref<!tpu.dma_semaphore, #tpu.memory_space<semaphore_mem>>) src(%dma_wait3A_462 : memref<200x64xf32, #tpu.memory_space<vmem>>) dst(%dma_wait3A_458 : memref<200x64xf32, #tpu.memory_space<hbm>>)
        } else {
        }
        %add3A_426 = arith.constant 4 : i32
        %add3A_427 = arith.addi %add3A_277, %add3A_426 : i32
        %sub3A_428 = arith.constant 1 : i32
        %sub3A_429 = arith.subi %add3A_427, %sub3A_428 : i32
        %mul3A_430 = arith.constant 200 : i32
        %mul3A_431 = arith.muli %sub3A_429, %mul3A_430 : i32
        %dma_start3A_432 = arith.constant 0 : i32
        %dma_start3A_433 = arith.constant 0 : i32
        %dma_start3A_434 = tpu.memref_slice %arg8[%select_n3A_338, %dma_start3A_432, %dma_start3A_433] : memref<4x200x64xf32, #tpu.memory_space<vmem>> -> memref<1x200x64xf32, #tpu.memory_space<vmem>>
        %dma_start3A_435 = tpu.memref_squeeze %dma_start3A_434 : memref<1x200x64xf32, #tpu.memory_space<vmem>> -> memref<200x64xf32, #tpu.memory_space<vmem>>
        %dma_start3A_436 = tpu.memref_slice %arg6[%mul3A_431] : memref<25600xi32, #tpu.memory_space<vmem>> -> memref<200xi32, #tpu.memory_space<vmem>>
        %dma_start3A_437 = arith.constant 0 : i32
        %dma_start3A_438 = arith.constant 0 : i32
        %dma_start3A_439 = tpu.memref_slice %arg3[%dma_start3A_437, %dma_start3A_438] : memref<1000000x64xf32, #tpu.memory_space<hbm>> -> memref<1000000x64xf32, #tpu.memory_space<hbm>>
        %dma_start3A_440 = tpu.memref_slice %arg9[%select_n3A_338] : memref<4x!tpu.dma_semaphore, #tpu.memory_space<semaphore_mem>> -> memref<1x!tpu.dma_semaphore, #tpu.memory_space<semaphore_mem>>
        %dma_start3A_441 = tpu.memref_squeeze %dma_start3A_440 : memref<1x!tpu.dma_semaphore, #tpu.memory_space<semaphore_mem>> -> memref<!tpu.dma_semaphore, #tpu.memory_space<semaphore_mem>>
        tpu.enqueue_indirect_dma source(%dma_start3A_439 : memref<1000000x64xf32, #tpu.memory_space<hbm>>) target(%dma_start3A_435 : memref<200x64xf32, #tpu.memory_space<vmem>>) offsets(%dma_start3A_436 : memref<200xi32, #tpu.memory_space<vmem>>) semaphore(%dma_start3A_441 : memref<!tpu.dma_semaphore, #tpu.memory_space<semaphore_mem>>)
      } else {
      }
      %mul3A_348 = arith.constant 4 : i32
      %mul3A_349 = arith.muli %scan3A_135, %mul3A_348 : i32
      %add3A_350 = arith.constant 3 : i32
      %add3A_351 = arith.addi %mul3A_349, %add3A_350 : i32
      %mul3A_352 = arith.constant 200 : i32
      %mul3A_353 = arith.muli %add3A_351, %mul3A_352 : i32
      %dma_wait3A_354 = arith.constant 3 : i32
      %dma_wait3A_355 = arith.constant 3 : i32
      %dma_wait3A_356 = arith.constant 0 : i32
      %dma_wait3A_357 = arith.constant 0 : i32
      %dma_wait3A_358 = tpu.memref_slice %arg8[%dma_wait3A_354, %dma_wait3A_356, %dma_wait3A_357] : memref<4x200x64xf32, #tpu.memory_space<vmem>> -> memref<1x200x64xf32, #tpu.memory_space<vmem>>
      %dma_wait3A_359 = tpu.memref_squeeze %dma_wait3A_358 : memref<1x200x64xf32, #tpu.memory_space<vmem>> -> memref<200x64xf32, #tpu.memory_space<vmem>>
      %dma_wait3A_360 = tpu.memref_slice %arg6[%mul3A_353] : memref<25600xi32, #tpu.memory_space<vmem>> -> memref<200xi32, #tpu.memory_space<vmem>>
      %dma_wait3A_361 = arith.constant 0 : i32
      %dma_wait3A_362 = arith.constant 0 : i32
      %dma_wait3A_363 = tpu.memref_slice %arg3[%dma_wait3A_361, %dma_wait3A_362] : memref<1000000x64xf32, #tpu.memory_space<hbm>> -> memref<1000000x64xf32, #tpu.memory_space<hbm>>
      %dma_wait3A_364 = tpu.memref_slice %arg9[%dma_wait3A_355] : memref<4x!tpu.dma_semaphore, #tpu.memory_space<semaphore_mem>> -> memref<1x!tpu.dma_semaphore, #tpu.memory_space<semaphore_mem>>
      %dma_wait3A_365 = tpu.memref_squeeze %dma_wait3A_364 : memref<1x!tpu.dma_semaphore, #tpu.memory_space<semaphore_mem>> -> memref<!tpu.dma_semaphore, #tpu.memory_space<semaphore_mem>>
      tpu.wait_indirect_dma semaphore(%dma_wait3A_365 : memref<!tpu.dma_semaphore, #tpu.memory_space<semaphore_mem>>) src(%dma_wait3A_363 : memref<1000000x64xf32, #tpu.memory_space<hbm>>) dst(%dma_wait3A_359 : memref<200x64xf32, #tpu.memory_space<vmem>>)
      %scan3A_366 = arith.constant 0 : i32
      %scan3A_367 = arith.constant 0 : i32
      %scan3A_368 = arith.constant 200 : i32
      %scan3A_369 = arith.addi %scan3A_367, %scan3A_368 : i32
      %scan3A_370 = arith.constant 1 : i32
      scf.for %scan3A_422 = %scan3A_367 to %scan3A_369 step %scan3A_370  : i32 {
        %get3A = arith.constant 3 : i32
        %get3A_423 = arith.index_cast %get3A : i32 to index
        %get3A_424 = arith.index_cast %scan3A_422 : i32 to index
        %get3A_425 = arith.constant 0 : index
        %get3A_426 = tpu.vector_load %arg8[%get3A_423, %get3A_424, %get3A_425] {strides = array<i32>} : memref<4x200x64xf32, #tpu.memory_space<vmem>>, vector<1x1x16xf32>,
        %get3A_427 = vector.shape_cast %get3A_426 : vector<1x1x16xf32> to vector<16xf32>
        %get3A_428 = arith.index_cast %scan3A_422 : i32 to index
        %get3A_429 = arith.constant 0 : index
        %get3A_430 = tpu.vector_load %arg7[%get3A_428, %get3A_429] {strides = array<i32>} : memref<200x64xf32, #tpu.memory_space<vmem>>, vector<1x16xf32>,
        %get3A_431 = vector.shape_cast %get3A_430 : vector<1x16xf32> to vector<16xf32>
        %add3A_432 = arith.addf %get3A_427, %get3A_431 : vector<16xf32>
        %swap3A = arith.constant 3 : i32
        %swap3A_433 = arith.index_cast %swap3A : i32 to index
        %swap3A_434 = arith.index_cast %scan3A_422 : i32 to index
        %swap3A_435 = arith.constant 0 : index
        %swap3A_436 = tpu.vector_load %arg8[%swap3A_433, %swap3A_434, %swap3A_435] {strides = array<i32>} : memref<4x200x64xf32, #tpu.memory_space<vmem>>, vector<1x1x16xf32>,
        %swap3A_437 = vector.shape_cast %swap3A_436 : vector<1x1x16xf32> to vector<16xf32>
        %swap3A_438 = vector.shape_cast %add3A_432 : vector<16xf32> to vector<1x1x16xf32>
        tpu.vector_store %arg8[%swap3A_433, %swap3A_434, %swap3A_435], %swap3A_438 {strides = array<i32>} : memref<4x200x64xf32, #tpu.memory_space<vmem>>, vector<1x1x16xf32>,
        %get3A_439 = arith.constant 3 : i32
        %get3A_440 = arith.index_cast %get3A_439 : i32 to index
        %get3A_441 = arith.index_cast %scan3A_422 : i32 to index
        %get3A_442 = arith.constant 16 : index
        %get3A_443 = tpu.vector_load %arg8[%get3A_440, %get3A_441, %get3A_442] {strides = array<i32>} : memref<4x200x64xf32, #tpu.memory_space<vmem>>, vector<1x1x16xf32>,
        %get3A_444 = vector.shape_cast %get3A_443 : vector<1x1x16xf32> to vector<16xf32>
        %get3A_445 = arith.index_cast %scan3A_422 : i32 to index
        %get3A_446 = arith.constant 16 : index
        %get3A_447 = tpu.vector_load %arg7[%get3A_445, %get3A_446] {strides = array<i32>} : memref<200x64xf32, #tpu.memory_space<vmem>>, vector<1x16xf32>,
        %get3A_448 = vector.shape_cast %get3A_447 : vector<1x16xf32> to vector<16xf32>
        %add3A_449 = arith.addf %get3A_444, %get3A_448 : vector<16xf32>
        %swap3A_450 = arith.constant 3 : i32
        %swap3A_451 = arith.index_cast %swap3A_450 : i32 to index
        %swap3A_452 = arith.index_cast %scan3A_422 : i32 to index
        %swap3A_453 = arith.constant 16 : index
        %swap3A_454 = tpu.vector_load %arg8[%swap3A_451, %swap3A_452, %swap3A_453] {strides = array<i32>} : memref<4x200x64xf32, #tpu.memory_space<vmem>>, vector<1x1x16xf32>,
        %swap3A_455 = vector.shape_cast %swap3A_454 : vector<1x1x16xf32> to vector<16xf32>
        %swap3A_456 = vector.shape_cast %add3A_449 : vector<16xf32> to vector<1x1x16xf32>
        tpu.vector_store %arg8[%swap3A_451, %swap3A_452, %swap3A_453], %swap3A_456 {strides = array<i32>} : memref<4x200x64xf32, #tpu.memory_space<vmem>>, vector<1x1x16xf32>,
        %get3A_457 = arith.constant 3 : i32
        %get3A_458 = arith.index_cast %get3A_457 : i32 to index
        %get3A_459 = arith.index_cast %scan3A_422 : i32 to index
        %get3A_460 = arith.constant 32 : index
        %get3A_461 = tpu.vector_load %arg8[%get3A_458, %get3A_459, %get3A_460] {strides = array<i32>} : memref<4x200x64xf32, #tpu.memory_space<vmem>>, vector<1x1x16xf32>,
        %get3A_462 = vector.shape_cast %get3A_461 : vector<1x1x16xf32> to vector<16xf32>
        %get3A_463 = arith.index_cast %scan3A_422 : i32 to index
        %get3A_464 = arith.constant 32 : index
        %get3A_465 = tpu.vector_load %arg7[%get3A_463, %get3A_464] {strides = array<i32>} : memref<200x64xf32, #tpu.memory_space<vmem>>, vector<1x16xf32>,
        %get3A_466 = vector.shape_cast %get3A_465 : vector<1x16xf32> to vector<16xf32>
        %add3A_467 = arith.addf %get3A_462, %get3A_466 : vector<16xf32>
        %swap3A_468 = arith.constant 3 : i32
        %swap3A_469 = arith.index_cast %swap3A_468 : i32 to index
        %swap3A_470 = arith.index_cast %scan3A_422 : i32 to index
        %swap3A_471 = arith.constant 32 : index
        %swap3A_472 = tpu.vector_load %arg8[%swap3A_469, %swap3A_470, %swap3A_471] {strides = array<i32>} : memref<4x200x64xf32, #tpu.memory_space<vmem>>, vector<1x1x16xf32>,
        %swap3A_473 = vector.shape_cast %swap3A_472 : vector<1x1x16xf32> to vector<16xf32>
        %swap3A_474 = vector.shape_cast %add3A_467 : vector<16xf32> to vector<1x1x16xf32>
        tpu.vector_store %arg8[%swap3A_469, %swap3A_470, %swap3A_471], %swap3A_474 {strides = array<i32>} : memref<4x200x64xf32, #tpu.memory_space<vmem>>, vector<1x1x16xf32>,
        %get3A_475 = arith.constant 3 : i32
        %get3A_476 = arith.index_cast %get3A_475 : i32 to index
        %get3A_477 = arith.index_cast %scan3A_422 : i32 to index
        %get3A_478 = arith.constant 48 : index
        %get3A_479 = tpu.vector_load %arg8[%get3A_476, %get3A_477, %get3A_478] {strides = array<i32>} : memref<4x200x64xf32, #tpu.memory_space<vmem>>, vector<1x1x16xf32>,
        %get3A_480 = vector.shape_cast %get3A_479 : vector<1x1x16xf32> to vector<16xf32>
        %get3A_481 = arith.index_cast %scan3A_422 : i32 to index
        %get3A_482 = arith.constant 48 : index
        %get3A_483 = tpu.vector_load %arg7[%get3A_481, %get3A_482] {strides = array<i32>} : memref<200x64xf32, #tpu.memory_space<vmem>>, vector<1x16xf32>,
        %get3A_484 = vector.shape_cast %get3A_483 : vector<1x16xf32> to vector<16xf32>
        %add3A_485 = arith.addf %get3A_480, %get3A_484 : vector<16xf32>
        %swap3A_486 = arith.constant 3 : i32
        %swap3A_487 = arith.index_cast %swap3A_486 : i32 to index
        %swap3A_488 = arith.index_cast %scan3A_422 : i32 to index
        %swap3A_489 = arith.constant 48 : index
        %swap3A_490 = tpu.vector_load %arg8[%swap3A_487, %swap3A_488, %swap3A_489] {strides = array<i32>} : memref<4x200x64xf32, #tpu.memory_space<vmem>>, vector<1x1x16xf32>,
        %swap3A_491 = vector.shape_cast %swap3A_490 : vector<1x1x16xf32> to vector<16xf32>
        %swap3A_492 = vector.shape_cast %add3A_485 : vector<16xf32> to vector<1x1x16xf32>
        tpu.vector_store %arg8[%swap3A_487, %swap3A_488, %swap3A_489], %swap3A_492 {strides = array<i32>} : memref<4x200x64xf32, #tpu.memory_space<vmem>>, vector<1x1x16xf32>,
      }
      %scan3A_371 = arith.constant 200 : i32
      %add3A_372 = arith.addi %mul3A_4, %add3A_351 : i32
      %dma_start3A_373 = arith.constant 3 : i32
      %dma_start3A_374 = arith.constant 3 : i32
      %dma_start3A_375 = arith.constant 0 : i32
      %dma_start3A_376 = arith.constant 0 : i32
      %dma_start3A_377 = tpu.memref_slice %arg8[%dma_start3A_373, %dma_start3A_375, %dma_start3A_376] : memref<4x200x64xf32, #tpu.memory_space<vmem>> -> memref<1x200x64xf32, #tpu.memory_space<vmem>>
      %dma_start3A_378 = tpu.memref_squeeze %dma_start3A_377 : memref<1x200x64xf32, #tpu.memory_space<vmem>> -> memref<200x64xf32, #tpu.memory_space<vmem>>
      %dma_start3A_379 = arith.constant 0 : i32
      %dma_start3A_380 = arith.constant 0 : i32
      %dma_start3A_381 = tpu.memref_slice %arg5[%add3A_372, %dma_start3A_379, %dma_start3A_380] : memref<4096x200x64xf32, #tpu.memory_space<hbm>> -> memref<1x200x64xf32, #tpu.memory_space<hbm>>
      %dma_start3A_382 = tpu.memref_squeeze %dma_start3A_381 : memref<1x200x64xf32, #tpu.memory_space<hbm>> -> memref<200x64xf32, #tpu.memory_space<hbm>>
      %dma_start3A_383 = tpu.memref_slice %arg10[%dma_start3A_374] : memref<4x!tpu.dma_semaphore, #tpu.memory_space<semaphore_mem>> -> memref<1x!tpu.dma_semaphore, #tpu.memory_space<semaphore_mem>>
      %dma_start3A_384 = tpu.memref_squeeze %dma_start3A_383 : memref<1x!tpu.dma_semaphore, #tpu.memory_space<semaphore_mem>> -> memref<!tpu.dma_semaphore, #tpu.memory_space<semaphore_mem>>
      %dma_start3A_385 = arith.constant 0 : i32
      %dma_start3A_386 = arith.constant 0 : i32
      %dma_start3A_387 = tpu.memref_slice %arg5[%add3A_372, %dma_start3A_385, %dma_start3A_386] : memref<4096x200x64xf32, #tpu.memory_space<hbm>> -> memref<1x200x64xf32, #tpu.memory_space<hbm>>
      %dma_start3A_388 = tpu.memref_squeeze %dma_start3A_387 : memref<1x200x64xf32, #tpu.memory_space<hbm>> -> memref<200x64xf32, #tpu.memory_space<hbm>>
      %dma_start3A_389 = arith.constant 0 : i32
      %dma_start3A_390 = arith.constant 0 : i32
      %dma_start3A_391 = tpu.memref_slice %arg8[%dma_start3A_373, %dma_start3A_389, %dma_start3A_390] : memref<4x200x64xf32, #tpu.memory_space<vmem>> -> memref<1x200x64xf32, #tpu.memory_space<vmem>>
      %dma_start3A_392 = tpu.memref_squeeze %dma_start3A_391 : memref<1x200x64xf32, #tpu.memory_space<vmem>> -> memref<200x64xf32, #tpu.memory_space<vmem>>
      tpu.enqueue_dma source(%dma_start3A_392 : memref<200x64xf32, #tpu.memory_space<vmem>>) target(%dma_start3A_388 : memref<200x64xf32, #tpu.memory_space<hbm>>) target_semaphore(%dma_start3A_384 : memref<!tpu.dma_semaphore, #tpu.memory_space<semaphore_mem>>)
      %add3A_393 = arith.constant 4 : i32
      %add3A_394 = arith.addi %add3A_351, %add3A_393 : i32
      %sub3A_395 = arith.constant 1 : i32
      %sub3A_396 = arith.subi %add3A_394, %sub3A_395 : i32
      %jit3A_397 = arith.constant 4 : i32
      %eq3A_398 = arith.constant 0 : i32
      %eq3A_399 = arith.cmpi eq, %jit3A_397, %eq3A_398 : i32
      %jit3A_400 = arith.constant 1 : i32
      %select_n3A_401 = arith.select %eq3A_399, %jit3A_400, %jit3A_397 : i32
      %rem3A_402 = arith.remsi %sub3A_396, %select_n3A_401 : i32
      %ne3A_403 = arith.constant 0 : i32
      %ne3A_404 = arith.cmpi ne, %rem3A_402, %ne3A_403 : i32
      %lt3A_405 = arith.constant 0 : i32
      %lt3A_406 = arith.cmpi slt, %rem3A_402, %lt3A_405 : i32
      %lt3A_407 = arith.constant 0 : i32
      %lt3A_408 = arith.cmpi slt, %select_n3A_401, %lt3A_407 : i32
      %ne3A_409 = arith.xori %lt3A_406, %lt3A_408 : i1
      %and3A_410 = arith.andi %ne3A_409, %ne3A_404 : i1
      %add3A_411 = arith.addi %rem3A_402, %select_n3A_401 : i32
      %select_n3A_412 = arith.select %and3A_410, %add3A_411, %rem3A_402 : i32
      %add3A_413 = arith.constant 4 : i32
      %add3A_414 = arith.addi %add3A_351, %add3A_413 : i32
      %sub3A_415 = arith.constant 1 : i32
      %sub3A_416 = arith.subi %add3A_414, %sub3A_415 : i32
      %lt3A_417 = arith.constant 128 : i32
      %lt3A_418 = arith.cmpi slt, %sub3A_416, %lt3A_417 : i32
      %convert_element_type3A_419 = arith.extui %lt3A_418 : i1 to i32
      %cond3A_420 = arith.constant 0 : i32
      %cond3A_421 = arith.cmpi ne, %convert_element_type3A_419, %cond3A_420 : i32
      scf.if %cond3A_421 {
        %gt3A = arith.constant 0 : i32
        %gt3A_422 = arith.cmpi sgt, %add3A_351, %gt3A : i32
        %convert_element_type3A_423 = arith.extui %gt3A_422 : i1 to i32
        %cond3A_424 = arith.constant 0 : i32
        %cond3A_425 = arith.cmpi ne, %convert_element_type3A_423, %cond3A_424 : i32
        scf.if %cond3A_425 {
          %sub3A_442 = arith.constant 1 : i32
          %sub3A_443 = arith.subi %add3A_351, %sub3A_442 : i32
          %add3A_444 = arith.addi %mul3A_4, %sub3A_443 : i32
          %dma_wait3A_445 = arith.constant 0 : i32
          %dma_wait3A_446 = arith.constant 0 : i32
          %dma_wait3A_447 = tpu.memref_slice %arg8[%select_n3A_412, %dma_wait3A_445, %dma_wait3A_446] : memref<4x200x64xf32, #tpu.memory_space<vmem>> -> memref<1x200x64xf32, #tpu.memory_space<vmem>>
          %dma_wait3A_448 = tpu.memref_squeeze %dma_wait3A_447 : memref<1x200x64xf32, #tpu.memory_space<vmem>> -> memref<200x64xf32, #tpu.memory_space<vmem>>
          %dma_wait3A_449 = arith.constant 0 : i32
          %dma_wait3A_450 = arith.constant 0 : i32
          %dma_wait3A_451 = tpu.memref_slice %arg5[%add3A_444, %dma_wait3A_449, %dma_wait3A_450] : memref<4096x200x64xf32, #tpu.memory_space<hbm>> -> memref<1x200x64xf32, #tpu.memory_space<hbm>>
          %dma_wait3A_452 = tpu.memref_squeeze %dma_wait3A_451 : memref<1x200x64xf32, #tpu.memory_space<hbm>> -> memref<200x64xf32, #tpu.memory_space<hbm>>
          %dma_wait3A_453 = tpu.memref_slice %arg10[%select_n3A_412] : memref<4x!tpu.dma_semaphore, #tpu.memory_space<semaphore_mem>> -> memref<1x!tpu.dma_semaphore, #tpu.memory_space<semaphore_mem>>
          %dma_wait3A_454 = tpu.memref_squeeze %dma_wait3A_453 : memref<1x!tpu.dma_semaphore, #tpu.memory_space<semaphore_mem>> -> memref<!tpu.dma_semaphore, #tpu.memory_space<semaphore_mem>>
          %dma_wait3A_455 = arith.constant 0 : i32
          %dma_wait3A_456 = arith.constant 0 : i32
          %dma_wait3A_457 = tpu.memref_slice %arg5[%add3A_444, %dma_wait3A_455, %dma_wait3A_456] : memref<4096x200x64xf32, #tpu.memory_space<hbm>> -> memref<1x200x64xf32, #tpu.memory_space<hbm>>
          %dma_wait3A_458 = tpu.memref_squeeze %dma_wait3A_457 : memref<1x200x64xf32, #tpu.memory_space<hbm>> -> memref<200x64xf32, #tpu.memory_space<hbm>>
          %dma_wait3A_459 = arith.constant 0 : i32
          %dma_wait3A_460 = arith.constant 0 : i32
          %dma_wait3A_461 = tpu.memref_slice %arg8[%select_n3A_412, %dma_wait3A_459, %dma_wait3A_460] : memref<4x200x64xf32, #tpu.memory_space<vmem>> -> memref<1x200x64xf32, #tpu.memory_space<vmem>>
          %dma_wait3A_462 = tpu.memref_squeeze %dma_wait3A_461 : memref<1x200x64xf32, #tpu.memory_space<vmem>> -> memref<200x64xf32, #tpu.memory_space<vmem>>
          tpu.wait_dma2 semaphore(%dma_wait3A_454 : memref<!tpu.dma_semaphore, #tpu.memory_space<semaphore_mem>>) src(%dma_wait3A_462 : memref<200x64xf32, #tpu.memory_space<vmem>>) dst(%dma_wait3A_458 : memref<200x64xf32, #tpu.memory_space<hbm>>)
        } else {
        }
        %add3A_426 = arith.constant 4 : i32
        %add3A_427 = arith.addi %add3A_351, %add3A_426 : i32
        %sub3A_428 = arith.constant 1 : i32
        %sub3A_429 = arith.subi %add3A_427, %sub3A_428 : i32
        %mul3A_430 = arith.constant 200 : i32
        %mul3A_431 = arith.muli %sub3A_429, %mul3A_430 : i32
        %dma_start3A_432 = arith.constant 0 : i32
        %dma_start3A_433 = arith.constant 0 : i32
        %dma_start3A_434 = tpu.memref_slice %arg8[%select_n3A_412, %dma_start3A_432, %dma_start3A_433] : memref<4x200x64xf32, #tpu.memory_space<vmem>> -> memref<1x200x64xf32, #tpu.memory_space<vmem>>
        %dma_start3A_435 = tpu.memref_squeeze %dma_start3A_434 : memref<1x200x64xf32, #tpu.memory_space<vmem>> -> memref<200x64xf32, #tpu.memory_space<vmem>>
        %dma_start3A_436 = tpu.memref_slice %arg6[%mul3A_431] : memref<25600xi32, #tpu.memory_space<vmem>> -> memref<200xi32, #tpu.memory_space<vmem>>
        %dma_start3A_437 = arith.constant 0 : i32
        %dma_start3A_438 = arith.constant 0 : i32
        %dma_start3A_439 = tpu.memref_slice %arg3[%dma_start3A_437, %dma_start3A_438] : memref<1000000x64xf32, #tpu.memory_space<hbm>> -> memref<1000000x64xf32, #tpu.memory_space<hbm>>
        %dma_start3A_440 = tpu.memref_slice %arg9[%select_n3A_412] : memref<4x!tpu.dma_semaphore, #tpu.memory_space<semaphore_mem>> -> memref<1x!tpu.dma_semaphore, #tpu.memory_space<semaphore_mem>>
        %dma_start3A_441 = tpu.memref_squeeze %dma_start3A_440 : memref<1x!tpu.dma_semaphore, #tpu.memory_space<semaphore_mem>> -> memref<!tpu.dma_semaphore, #tpu.memory_space<semaphore_mem>>
        tpu.enqueue_indirect_dma source(%dma_start3A_439 : memref<1000000x64xf32, #tpu.memory_space<hbm>>) target(%dma_start3A_435 : memref<200x64xf32, #tpu.memory_space<vmem>>) offsets(%dma_start3A_436 : memref<200xi32, #tpu.memory_space<vmem>>) semaphore(%dma_start3A_441 : memref<!tpu.dma_semaphore, #tpu.memory_space<semaphore_mem>>)
      } else {
      }
    }
    %scan3A_47 = arith.constant 32 : i32
    %add3A_48 = arith.constant 124 : i32
    %add3A_49 = arith.addi %mul3A_4, %add3A_48 : i32
    %dma_wait3A = arith.constant 0 : i32
    %dma_wait3A_50 = arith.constant 0 : i32
    %dma_wait3A_51 = arith.constant 0 : i32
    %dma_wait3A_52 = arith.constant 0 : i32
    %dma_wait3A_53 = tpu.memref_slice %arg8[%dma_wait3A, %dma_wait3A_51, %dma_wait3A_52] : memref<4x200x64xf32, #tpu.memory_space<vmem>> -> memref<1x200x64xf32, #tpu.memory_space<vmem>>
    %dma_wait3A_54 = tpu.memref_squeeze %dma_wait3A_53 : memref<1x200x64xf32, #tpu.memory_space<vmem>> -> memref<200x64xf32, #tpu.memory_space<vmem>>
    %dma_wait3A_55 = arith.constant 0 : i32
    %dma_wait3A_56 = arith.constant 0 : i32
    %dma_wait3A_57 = tpu.memref_slice %arg5[%add3A_49, %dma_wait3A_55, %dma_wait3A_56] : memref<4096x200x64xf32, #tpu.memory_space<hbm>> -> memref<1x200x64xf32, #tpu.memory_space<hbm>>
    %dma_wait3A_58 = tpu.memref_squeeze %dma_wait3A_57 : memref<1x200x64xf32, #tpu.memory_space<hbm>> -> memref<200x64xf32, #tpu.memory_space<hbm>>
    %dma_wait3A_59 = tpu.memref_slice %arg10[%dma_wait3A_50] : memref<4x!tpu.dma_semaphore, #tpu.memory_space<semaphore_mem>> -> memref<1x!tpu.dma_semaphore, #tpu.memory_space<semaphore_mem>>
    %dma_wait3A_60 = tpu.memref_squeeze %dma_wait3A_59 : memref<1x!tpu.dma_semaphore, #tpu.memory_space<semaphore_mem>> -> memref<!tpu.dma_semaphore, #tpu.memory_space<semaphore_mem>>
    %dma_wait3A_61 = arith.constant 0 : i32
    %dma_wait3A_62 = arith.constant 0 : i32
    %dma_wait3A_63 = tpu.memref_slice %arg5[%add3A_49, %dma_wait3A_61, %dma_wait3A_62] : memref<4096x200x64xf32, #tpu.memory_space<hbm>> -> memref<1x200x64xf32, #tpu.memory_space<hbm>>
    %dma_wait3A_64 = tpu.memref_squeeze %dma_wait3A_63 : memref<1x200x64xf32, #tpu.memory_space<hbm>> -> memref<200x64xf32, #tpu.memory_space<hbm>>
    %dma_wait3A_65 = arith.constant 0 : i32
    %dma_wait3A_66 = arith.constant 0 : i32
    %dma_wait3A_67 = tpu.memref_slice %arg8[%dma_wait3A, %dma_wait3A_65, %dma_wait3A_66] : memref<4x200x64xf32, #tpu.memory_space<vmem>> -> memref<1x200x64xf32, #tpu.memory_space<vmem>>
    %dma_wait3A_68 = tpu.memref_squeeze %dma_wait3A_67 : memref<1x200x64xf32, #tpu.memory_space<vmem>> -> memref<200x64xf32, #tpu.memory_space<vmem>>
    tpu.wait_dma2 semaphore(%dma_wait3A_60 : memref<!tpu.dma_semaphore, #tpu.memory_space<semaphore_mem>>) src(%dma_wait3A_68 : memref<200x64xf32, #tpu.memory_space<vmem>>) dst(%dma_wait3A_64 : memref<200x64xf32, #tpu.memory_space<hbm>>)
    %add3A_69 = arith.constant 125 : i32
    %add3A_70 = arith.addi %mul3A_4, %add3A_69 : i32
    %dma_wait3A_71 = arith.constant 1 : i32
    %dma_wait3A_72 = arith.constant 1 : i32
    %dma_wait3A_73 = arith.constant 0 : i32
    %dma_wait3A_74 = arith.constant 0 : i32
    %dma_wait3A_75 = tpu.memref_slice %arg8[%dma_wait3A_71, %dma_wait3A_73, %dma_wait3A_74] : memref<4x200x64xf32, #tpu.memory_space<vmem>> -> memref<1x200x64xf32, #tpu.memory_space<vmem>>
    %dma_wait3A_76 = tpu.memref_squeeze %dma_wait3A_75 : memref<1x200x64xf32, #tpu.memory_space<vmem>> -> memref<200x64xf32, #tpu.memory_space<vmem>>
    %dma_wait3A_77 = arith.constant 0 : i32
    %dma_wait3A_78 = arith.constant 0 : i32
    %dma_wait3A_79 = tpu.memref_slice %arg5[%add3A_70, %dma_wait3A_77, %dma_wait3A_78] : memref<4096x200x64xf32, #tpu.memory_space<hbm>> -> memref<1x200x64xf32, #tpu.memory_space<hbm>>
    %dma_wait3A_80 = tpu.memref_squeeze %dma_wait3A_79 : memref<1x200x64xf32, #tpu.memory_space<hbm>> -> memref<200x64xf32, #tpu.memory_space<hbm>>
    %dma_wait3A_81 = tpu.memref_slice %arg10[%dma_wait3A_72] : memref<4x!tpu.dma_semaphore, #tpu.memory_space<semaphore_mem>> -> memref<1x!tpu.dma_semaphore, #tpu.memory_space<semaphore_mem>>
    %dma_wait3A_82 = tpu.memref_squeeze %dma_wait3A_81 : memref<1x!tpu.dma_semaphore, #tpu.memory_space<semaphore_mem>> -> memref<!tpu.dma_semaphore, #tpu.memory_space<semaphore_mem>>
    %dma_wait3A_83 = arith.constant 0 : i32
    %dma_wait3A_84 = arith.constant 0 : i32
    %dma_wait3A_85 = tpu.memref_slice %arg5[%add3A_70, %dma_wait3A_83, %dma_wait3A_84] : memref<4096x200x64xf32, #tpu.memory_space<hbm>> -> memref<1x200x64xf32, #tpu.memory_space<hbm>>
    %dma_wait3A_86 = tpu.memref_squeeze %dma_wait3A_85 : memref<1x200x64xf32, #tpu.memory_space<hbm>> -> memref<200x64xf32, #tpu.memory_space<hbm>>
    %dma_wait3A_87 = arith.constant 0 : i32
    %dma_wait3A_88 = arith.constant 0 : i32
    %dma_wait3A_89 = tpu.memref_slice %arg8[%dma_wait3A_71, %dma_wait3A_87, %dma_wait3A_88] : memref<4x200x64xf32, #tpu.memory_space<vmem>> -> memref<1x200x64xf32, #tpu.memory_space<vmem>>
    %dma_wait3A_90 = tpu.memref_squeeze %dma_wait3A_89 : memref<1x200x64xf32, #tpu.memory_space<vmem>> -> memref<200x64xf32, #tpu.memory_space<vmem>>
    tpu.wait_dma2 semaphore(%dma_wait3A_82 : memref<!tpu.dma_semaphore, #tpu.memory_space<semaphore_mem>>) src(%dma_wait3A_90 : memref<200x64xf32, #tpu.memory_space<vmem>>) dst(%dma_wait3A_86 : memref<200x64xf32, #tpu.memory_space<hbm>>)
    %add3A_91 = arith.constant 126 : i32
    %add3A_92 = arith.addi %mul3A_4, %add3A_91 : i32
    %dma_wait3A_93 = arith.constant 2 : i32
    %dma_wait3A_94 = arith.constant 2 : i32
    %dma_wait3A_95 = arith.constant 0 : i32
    %dma_wait3A_96 = arith.constant 0 : i32
    %dma_wait3A_97 = tpu.memref_slice %arg8[%dma_wait3A_93, %dma_wait3A_95, %dma_wait3A_96] : memref<4x200x64xf32, #tpu.memory_space<vmem>> -> memref<1x200x64xf32, #tpu.memory_space<vmem>>
    %dma_wait3A_98 = tpu.memref_squeeze %dma_wait3A_97 : memref<1x200x64xf32, #tpu.memory_space<vmem>> -> memref<200x64xf32, #tpu.memory_space<vmem>>
    %dma_wait3A_99 = arith.constant 0 : i32
    %dma_wait3A_100 = arith.constant 0 : i32
    %dma_wait3A_101 = tpu.memref_slice %arg5[%add3A_92, %dma_wait3A_99, %dma_wait3A_100] : memref<4096x200x64xf32, #tpu.memory_space<hbm>> -> memref<1x200x64xf32, #tpu.memory_space<hbm>>
    %dma_wait3A_102 = tpu.memref_squeeze %dma_wait3A_101 : memref<1x200x64xf32, #tpu.memory_space<hbm>> -> memref<200x64xf32, #tpu.memory_space<hbm>>
    %dma_wait3A_103 = tpu.memref_slice %arg10[%dma_wait3A_94] : memref<4x!tpu.dma_semaphore, #tpu.memory_space<semaphore_mem>> -> memref<1x!tpu.dma_semaphore, #tpu.memory_space<semaphore_mem>>
    %dma_wait3A_104 = tpu.memref_squeeze %dma_wait3A_103 : memref<1x!tpu.dma_semaphore, #tpu.memory_space<semaphore_mem>> -> memref<!tpu.dma_semaphore, #tpu.memory_space<semaphore_mem>>
    %dma_wait3A_105 = arith.constant 0 : i32
    %dma_wait3A_106 = arith.constant 0 : i32
    %dma_wait3A_107 = tpu.memref_slice %arg5[%add3A_92, %dma_wait3A_105, %dma_wait3A_106] : memref<4096x200x64xf32, #tpu.memory_space<hbm>> -> memref<1x200x64xf32, #tpu.memory_space<hbm>>
    %dma_wait3A_108 = tpu.memref_squeeze %dma_wait3A_107 : memref<1x200x64xf32, #tpu.memory_space<hbm>> -> memref<200x64xf32, #tpu.memory_space<hbm>>
    %dma_wait3A_109 = arith.constant 0 : i32
    %dma_wait3A_110 = arith.constant 0 : i32
    %dma_wait3A_111 = tpu.memref_slice %arg8[%dma_wait3A_93, %dma_wait3A_109, %dma_wait3A_110] : memref<4x200x64xf32, #tpu.memory_space<vmem>> -> memref<1x200x64xf32, #tpu.memory_space<vmem>>
    %dma_wait3A_112 = tpu.memref_squeeze %dma_wait3A_111 : memref<1x200x64xf32, #tpu.memory_space<vmem>> -> memref<200x64xf32, #tpu.memory_space<vmem>>
    tpu.wait_dma2 semaphore(%dma_wait3A_104 : memref<!tpu.dma_semaphore, #tpu.memory_space<semaphore_mem>>) src(%dma_wait3A_112 : memref<200x64xf32, #tpu.memory_space<vmem>>) dst(%dma_wait3A_108 : memref<200x64xf32, #tpu.memory_space<hbm>>)
    %add3A_113 = arith.constant 127 : i32
    %add3A_114 = arith.addi %mul3A_4, %add3A_113 : i32
    %dma_wait3A_115 = arith.constant 3 : i32
    %dma_wait3A_116 = arith.constant 3 : i32
    %dma_wait3A_117 = arith.constant 0 : i32
    %dma_wait3A_118 = arith.constant 0 : i32
    %dma_wait3A_119 = tpu.memref_slice %arg8[%dma_wait3A_115, %dma_wait3A_117, %dma_wait3A_118] : memref<4x200x64xf32, #tpu.memory_space<vmem>> -> memref<1x200x64xf32, #tpu.memory_space<vmem>>
    %dma_wait3A_120 = tpu.memref_squeeze %dma_wait3A_119 : memref<1x200x64xf32, #tpu.memory_space<vmem>> -> memref<200x64xf32, #tpu.memory_space<vmem>>
    %dma_wait3A_121 = arith.constant 0 : i32
    %dma_wait3A_122 = arith.constant 0 : i32
    %dma_wait3A_123 = tpu.memref_slice %arg5[%add3A_114, %dma_wait3A_121, %dma_wait3A_122] : memref<4096x200x64xf32, #tpu.memory_space<hbm>> -> memref<1x200x64xf32, #tpu.memory_space<hbm>>
    %dma_wait3A_124 = tpu.memref_squeeze %dma_wait3A_123 : memref<1x200x64xf32, #tpu.memory_space<hbm>> -> memref<200x64xf32, #tpu.memory_space<hbm>>
    %dma_wait3A_125 = tpu.memref_slice %arg10[%dma_wait3A_116] : memref<4x!tpu.dma_semaphore, #tpu.memory_space<semaphore_mem>> -> memref<1x!tpu.dma_semaphore, #tpu.memory_space<semaphore_mem>>
    %dma_wait3A_126 = tpu.memref_squeeze %dma_wait3A_125 : memref<1x!tpu.dma_semaphore, #tpu.memory_space<semaphore_mem>> -> memref<!tpu.dma_semaphore, #tpu.memory_space<semaphore_mem>>
    %dma_wait3A_127 = arith.constant 0 : i32
    %dma_wait3A_128 = arith.constant 0 : i32
    %dma_wait3A_129 = tpu.memref_slice %arg5[%add3A_114, %dma_wait3A_127, %dma_wait3A_128] : memref<4096x200x64xf32, #tpu.memory_space<hbm>> -> memref<1x200x64xf32, #tpu.memory_space<hbm>>
    %dma_wait3A_130 = tpu.memref_squeeze %dma_wait3A_129 : memref<1x200x64xf32, #tpu.memory_space<hbm>> -> memref<200x64xf32, #tpu.memory_space<hbm>>
    %dma_wait3A_131 = arith.constant 0 : i32
    %dma_wait3A_132 = arith.constant 0 : i32
    %dma_wait3A_133 = tpu.memref_slice %arg8[%dma_wait3A_115, %dma_wait3A_131, %dma_wait3A_132] : memref<4x200x64xf32, #tpu.memory_space<vmem>> -> memref<1x200x64xf32, #tpu.memory_space<vmem>>
    %dma_wait3A_134 = tpu.memref_squeeze %dma_wait3A_133 : memref<1x200x64xf32, #tpu.memory_space<vmem>> -> memref<200x64xf32, #tpu.memory_space<vmem>>
    tpu.wait_dma2 semaphore(%dma_wait3A_126 : memref<!tpu.dma_semaphore, #tpu.memory_space<semaphore_mem>>) src(%dma_wait3A_134 : memref<200x64xf32, #tpu.memory_space<vmem>>) dst(%dma_wait3A_130 : memref<200x64xf32, #tpu.memory_space<hbm>>)
    return
  }
}

</mosaic_0001>

<sc_bundles>
// kernel: kernel.3.cloned.1.call-start
scs
__scs_entry_jumppad:
0x0: {  	(pc) =	sbr.rel $0x88, $3  }
0x1: {  	(tag) =	ssettag $0x0;
	lr =	simm.s32 $0x1  }
0x2: {  	[smem:$0x3F9E] =	sst lr;
	_ =	strace $0xD0000000  }
0x3: {  	_ = 	snop  }
0x4: {  	_ = 	snop  }
0x5: {  	_ = 	snop  }
0x6: {  	_ = 	snop  }
0x7: {  	_ = 	snop  }
__scs_overlays_trampoline_lowered:
0x8: {  	[smem:$0x3FAD] =	sst s0  }
0x9: {  	[smem:$0x3FAE] =	sst s1  }
0xa: {  	[smem:$0x3FAF] =	sst s2  }
0xb: {  	[smem:$0x3FB0] =	sst s3  }
0xc: {  	[smem:$0x3FB1] =	sst s4  }
0xd: {  	[smem:$0x3FB2] =	sst s5  }
0xe: {  	[smem:$0x3FB3] =	sst s6  }
0xf: {  	[smem:$0x3FB4] =	sst s7  }
0x10: {  	[smem:$0x3FB5] =	sst s8  }
0x11: {  	[smem:$0x3FB6] =	sst s9;
	s0 =	simm.s32 @!p0 $0x0  }
0x12: {  	s1 =	sld [smem:$0x3F9C];
	s0 =	simm.s32 @p0 $0x1  }
0x13: {  	[smem:$0x3FB7] =	sst s0;
	s0 =	simm.s32 @!p1 $0x0  }
0x14: {  	s2 =	sld [smem:$0x3F9B];
	s0 =	simm.s32 @p1 $0x1  }
0x15: {  	[smem:$0x3FB8] =	sst s0;
	s0 =	simm.s32 @!p2 $0x0  }
0x16: {  	s3 =	sld [smem:$0x3FDB];
	s0 =	simm.s32 @p2 $0x1  }
0x17: {  	s4 =	simm.s32 $0x1BF5;
	[smem:$0x3FBA] =	sst s0  }
0x18: {  	s0 =	sld [smem:$0x3F9D];
	_ =	swait.ge [sflag:s4], $0x0  }
0x19: {  	s7 =	sld [smem:$0x3F9E]  }
0x1a: {  	s8 =	sadd.s32 $0xFFFFE003, lr  }
0x1b: {  	s9 =	sadd.s32 $0xFFFFFEF7, lr;
	s5 =	simm.s32 $0xFFFFFFFF;
	p2 =	slt.u32 s8, $0xFFFFF086  }
0x1c: {  	p1 =	slt.u32 s9, $0xF7A;
	s5 =	simm.s32 @!p2 $0x0  }
0x1d: {  	s5 =	simm.s32 @p1 $0x1;
	p0 =	seq.s32 s7, s2  }
0x1e: {  	s7 =	smul.u32 @!p0 $0xF7A, s2;
	p2 =	seq.s32 @!p0 s5, $0x0  }
0x1f: {  	s9 =	smul.u32 $0xF7A, s1;
	s8 =	simm.s32 @!p0 $0x1BF5;
	p2 =	por !p2, p0  }
0x20: {  	[sflag:s8] =	ssyncset.s32 @!p0 $0xFFFFF086;
	s6 =	sadd.s32 @!p0 s3, s7;
	s7 =	simm.s32 @!p0 $0x108  }
0x21: {  	s3 =	sadd.s32 s3, s9;
	s6 =	sadd.s32 @!p0 $0x88, s6;
	s7 =	simm.s32 @p2 $0x1082  }
0x22: {  	[simem:s7], [sflag:s8] =	dma.local @!p0 [hbm:s6], $0xF7A  }
0x23: {  	s9 =	sor.u32 $0xD0000000, s2;
	s6 =	simm.s32 $0x108;
	_ =	swait.ge @!p0 [sflag:s8], $0x0  }
0x24: {  	s3 =	sadd.s32 $0x88, s3;
	s6 =	simm.s32 @!p1 $0x1082;
	[sflag:s4] =	ssyncset.s32 $0xFFFFF086  }
0x25: {  	[simem:s6], [sflag:s4] =	dma.local [hbm:s3], $0xF7A  }
0x26: {  	[smem:$0x3F9E] =	sst s1;
	(tag) =	ssettag s2;
	_ =	strace s9  }
0x27: {  	s1 =	sld [smem:$0x3FAE]  }
0x28: {  	s2 =	sld [smem:$0x3FAF]  }
0x29: {  	s4 =	sld [smem:$0x3FB1]  }
0x2a: {  	p0 =	seq.s32 s5, $0x0;
	s5 =	sld [smem:$0x3FB2]  }
0x2b: {  	s6 =	sld [smem:$0x3FB3]  }
0x2c: {  	s7 =	sld [smem:$0x3FB4]  }
0x2d: {  	s3 =	simm.s32 $0x108;
	s8 =	sld [smem:$0x3FB5]  }
0x2e: {  	s3 =	simm.s32 @!p0 $0x1082;
	s9 =	sld [smem:$0x3FB6]  }
0x2f: {  	lr =	sadd.s32 s0, s3;
	s0 =	sld [smem:$0x3FAD]  }
0x30: {  	s3 =	sld [smem:$0x3FB0]  }
0x31: {  	[smem:$0x3FB9] =	sst s10  }
0x32: {  	s10 =	sld [smem:$0x3FB7];
	_ =	sdelay $0x3  }
0x33: {  	p0 =	seq.s32 s10, $0x1;
	s10 =	sld [smem:$0x3FB9];
	_ =	sdelay $0x3  }
0x34: {  	[smem:$0x3FB9] =	sst s10  }
0x35: {  	s10 =	sld [smem:$0x3FB8];
	_ =	sdelay $0x3  }
0x36: {  	p1 =	seq.s32 s10, $0x1;
	s10 =	sld [smem:$0x3FB9];
	_ =	sdelay $0x3  }
0x37: {  	[smem:$0x3FB9] =	sst s10  }
0x38: {  	s10 =	sld [smem:$0x3FBA]  }
0x39: {  	_ = 	snop;
	(pc) =	sbr.ind lr, $3  }
0x3a: {  	_ = 	snop  }
0x3b: {  	_ = 	snop  }
0x3c: {  	p2 =	seq.s32 s10, $0x1;
	s10 =	sld [smem:$0x3FB9]  }
0x3d: {  	_ =	shalt  }
0x3e: {  	_ =	shalt  }
0x3f: {  	_ =	shalt  }
0x40: {  	_ =	shalt  }
0x41: {  	_ =	shalt  }
0x42: {  	_ =	shalt  }
0x43: {  	_ =	shalt  }
0x44: {  	_ =	shalt  }
0x45: {  	_ =	shalt  }
0x46: {  	_ =	shalt  }
0x47: {  	_ =	shalt  }
0x48: {  	_ =	shalt  }
0x49: {  	_ =	shalt  }
0x4a: {  	_ =	shalt  }
0x4b: {  	_ =	shalt  }
0x4c: {  	_ =	shalt  }
0x4d: {  	_ =	shalt  }
0x4e: {  	_ =	shalt  }
0x4f: {  	_ =	shalt  }
0x50: {  	_ =	shalt  }
0x51: {  	_ =	shalt  }
0x52: {  	_ =	shalt  }
0x53: {  	_ =	shalt  }
0x54: {  	_ =	shalt  }
0x55: {  	_ =	shalt  }
0x56: {  	_ =	shalt  }
0x57: {  	_ =	shalt  }
0x58: {  	_ =	shalt  }
0x59: {  	_ =	shalt  }
0x5a: {  	_ =	shalt  }
0x5b: {  	_ =	shalt  }
0x5c: {  	_ =	shalt  }
0x5d: {  	_ =	shalt  }
0x5e: {  	_ =	shalt  }
0x5f: {  	_ =	shalt  }
0x60: {  	_ =	shalt  }
0x61: {  	_ =	shalt  }
0x62: {  	_ =	shalt  }
0x63: {  	_ =	shalt  }
0x64: {  	_ =	shalt  }
0x65: {  	_ =	shalt  }
0x66: {  	_ =	shalt  }
0x67: {  	_ =	shalt  }
0x68: {  	_ =	shalt  }
0x69: {  	_ =	shalt  }
0x6a: {  	_ =	shalt  }
0x6b: {  	_ =	shalt  }
0x6c: {  	_ =	shalt  }
0x6d: {  	_ =	shalt  }
0x6e: {  	_ =	shalt  }
0x6f: {  	_ =	shalt  }
0x70: {  	_ =	shalt  }
0x71: {  	_ =	shalt  }
0x72: {  	_ =	shalt  }
0x73: {  	_ =	shalt  }
0x74: {  	_ =	shalt  }
0x75: {  	_ =	shalt  }
0x76: {  	_ =	shalt  }
0x77: {  	_ =	shalt  }
0x78: {  	_ =	shalt  }
0x79: {  	_ =	shalt  }
0x7a: {  	_ =	shalt  }
0x7b: {  	_ =	shalt  }
0x7c: {  	_ =	shalt  }
0x7d: {  	_ =	shalt  }
0x7e: {  	_ =	shalt  }
0x7f: {  	_ =	shalt  }
0x80: {  	_ =	shalt  }
0x81: {  	_ =	shalt  }
0x82: {  	_ =	shalt  }
0x83: {  	_ =	shalt  }
0x84: {  	_ =	shalt  }
0x85: {  	_ =	shalt  }
0x86: {  	_ =	shalt  }
0x87: {  	_ =	shalt  }
.Lfunc_end0:
.L_simem_size_0:
called_computation.1_lowered:
.L_overlay_start_0:
0x88: {  	s2 =	sld [smem:$0x3FD9]  }
0x89: {  	s3 =	sld [smem:$0x3FFE];
	_ =	sdelay $0x1  }
0x8a: {  	s1 =	srdreg.scid  }
0x8b: {  	s0 =	sand.u32 $0x1, s1  }
0x8c: {  	s17 =	sshll.u32 s0, $0xA;
	s2 =	sadd.s32 s3, s2  }
0x8d: {  	s2 =	sadd.s32 s2, s17  }
0x8e: {  	[smem:$0x3FC5] =	sst s2  }
0x8f: {  	_ = 	snop  }
0x90: {  	s2 =	sld [smem:$0x3FD0];
	(tm) =	ssettm $0x1  }
0x91: {  	s18 =	sld [smem:$0x3FFB];
	_ =	sdelay $0x3  }
0x92: {  	_ =	strace s18  }
0x93: {  	s3 =	sld [smem:$0x3FFC];
	_ =	sdelay $0x3  }
0x94: {  	_ =	strace s3  }
0x95: {  	s3 =	sld [smem:$0x3FFD];
	_ =	sdelay $0x3  }
0x96: {  	_ =	strace s3  }
0x97: {  	_ =	strace $0x8FFFFFFF  }
0x98: {  	s19 =	sld [smem:$0x3FDB];
	_ =	sdelay $0x1  }
0x99: {  	s4 =	simm.s32 $_scs_section_size  }
0x9a: {  	s5 =	simm.s32 $_size__tile_overlayer_lowered;
	s6 =	simm.s32 $_tile_overlayer_lowered  }
0x9b: {  	s22 =	simm.s32 $0x1BFF;
	s21 =	sshll.u32 s6, $0x1;
	s3 =	sadd.s32 s4, s19  }
0x9c: {  	s7 =	simm.s32 $0x0;
	s20 =	sshll.u32 s5, $0x1;
	s5 =	sadd.s32 s21, s3  }
0x9d: {  	[timem:s7], [sflag:s22] =	dma.local [hbm:s5], s20  }
0x9e: {  	_ =	swait.ge [sflag:s22], s20  }
0x9f: {  	s4 =	ssub.s32 $0x0, s20;
	[sflag:s22] =	ssyncset.done $0x0  }
0xa0: {  	[sflag:s22] =	ssyncadd.s32 s4;
	_ =	sdelay $0x1  }
0xa1: {  	s23 =	simm.s32 $0x1B8B  }
0xa2: {  	_ =	swait.ge [sflag:s23], $0x1  }
0xa3: {  	[sflag:s23] =	ssyncset.done $0x0  }
0xa4: {  	s25 =	simm.s32 $0x1B8E;
	s24 =	sld [smem:$0x3FFE];
	[sflag:s23] =	ssyncadd.s32 $0xFFFFFFFF  }
0xa5: {  	s26 =	simm.s32 $execute0_lowered;
	[smem:$0x3FD2] =	sst s25  }
0xa6: {  	s5 =	sshll.u32 s26, $0x1;
	_ =	strace $0x80000046;
	[dreg:$0x1] =	wrdreg $0xFFFFFFFF  }
0xa7: {  	s28 =	simm.s32 $_size_execute0_lowered;
	s3 =	sadd.s32 s3, s5;
	[dreg:$0x0] =	wrdreg $0x0  }
0xa8: {  	s5 =	sshll.u32 s28, $0x1;
	[dreg:$0x2] =	wrdreg s3  }
0xa9: {  	[dreg:$0x3] =	wrdreg s5  }
0xaa: {  	[dreg:$0x4] =	wrdreg $0xC0  }
0xab: {  	_ =	task [dreg:s7], $0x5FFFF  }
0xac: {  	[dreg:$0x1] =	wrdreg $0xFFFFFFFF  }
0xad: {  	[dreg:$0x0] =	wrdreg $0x60  }
0xae: {  	[dreg:$0x2] =	wrdreg s24  }
0xaf: {  	[dreg:$0x3] =	wrdreg s2  }
0xb0: {  	[dreg:$0x4] =	wrdreg $0x9  }
0xb1: {  	_ =	task.clear_ibuf [dreg:s7], $0x5FFFF;
	_ =	strace $0x90000046  }
0xb2: {  	s29 =	simm.s32 $0x9;
	_ =	strace $0x80000048  }
0xb3: {  	_ =	swait.ge [sflag:s29], $0x1  }
0xb4: {  	[sflag:s29] =	ssyncadd.s32 $0xFFFFFFFF  }
0xb5: {  	_ =	strace $0x90000048  }
0xb6: {  	_ =	sfence  }
0xb7: {  	s30 =	sld [smem:$0x0];
	_ =	sdelay $0x2  }
0xb8: {  	s31 =	sshll.u32 s1, $0xD;
	s1 =	sshrl.u32 s1, $0x2  }
0xb9: {  	s3 =	sand.u32 $0x4000, s31;
	s1 =	sadd.s32 s1, s30  }
0xba: {  	s0 =	sor.u32 s3, s0;
	s1 =	sshll.u32 s1, $0x11  }
0xbb: {  	s0 =	sor.u32 s1, s0  }
0xbc: {  	s0 =	sadd.s32 $0x8F2B, s0  }
0xbd: {  	[sflag:s0] =	ssyncadd.remote.s32 $0x1  }
0xbe: {  	_ =	sfence.sel $0xFFFF  }
0xbf: {  	[dreg:$0x0] =	wrdreg $0xFFFFFFFF;
	(pc) =	sbr.abs _section_cstart, $3  }
0xc0: {  	[dreg:$0x1] =	wrdreg $0xFFFFFFFF  }
0xc1: {  	_ =	task.clear_ibuf [dreg:s7], $0x2FFFF;
	_ =	strace $0x9FFFFFFF  }
0xc2: {  	(tm) =	ssettm $0x7FFFFFFF  }
0xc3: {  	_ =	shalt  }
tec
execute0_lowered:
.L_overlay_start_1:
0x0: {  	(tag) =	ssettag $0x1  }
0x1: {  	s1 =	srdreg.scid;
	s5 =	rddreg [dreg:$0x0]  }
0x2: {  	s0 =	stileid.u32;
	s2 =	rddreg [dreg:$0x1];
	s9 =	simm.s32 $0x9  }
0x3: {  	s10 =	simm.s32 $0x6400;
	s11 =	simm.s32 $0xC8;
	s12 =	simm.s32 $0x9600  }
0x4: {  	s13 =	simm.s32 $0xC800;
	s14 =	simm.s32 $0x190;
	s15 =	simm.s32 $0xFA00  }
0x5: {  	s16 =	simm.s32 $0x1;
	s17 =	simm.s32 $0x12C00;
	s18 =	simm.s32 $0x2  }
0x6: {  	s19 =	simm.s32 $0x3;
	s20 =	simm.s32 $0x4;
	s21 =	simm.s32 $0x5  }
0x7: {  	s22 =	simm.s32 $0x6;
	s23 =	simm.s32 $0x7;
	s24 =	simm.s32 $0x8  }
0x8: {  	s25 =	simm.s32 $0x0;
	s1 =	sand.u32 $0x1, s1;
	s3 =	sshll.u32 s0, $0x1  }
.Ltmp0:
0x9: {  	s6 =	sor.u32 s1, s3;
	s3 =	simm.s32 $0x0;
	(pc) =	sbr.rel .LBB2_1-.Ltmp0, $4  }
0xa: {  	s1 =	ssub.s32 $0x2, s1;
	s4 =	smul.u32 $0xC80, s6;
	[smem:$0x7FF] =	sst s3  }
0xb: {  	s8 =	sshrl.u32 s1, $0x1;
	s6 =	sshll.u32 s6, $0x7;
	_ =	strace $0x80000047  }
0xc: {  	s1 =	ssub.s32 s1, s8;
	s7 =	sadd.s32 s4, s5;
	s4 =	sadd.s32 $0xF43000, s5  }
0xd: {  	s5 =	sadd.s32 $0x19C00, s5;
	s8 =	smax.u32 s1, $0x1;
	s7 =	sadd.s32 $0xC00, s7  }
.LBB2_12:
0xe: {  	_ =	swait.ge [sflag:s21], $0x3200  }
0xf: {  	[sflag:s21] =	ssyncset.done $0x0  }
0x10: {  	[sflag:s21] =	ssyncadd.s32 $0xFFFFCE00  }
0x11: {  	_ =	swait.ge [sflag:s22], $0x3200  }
0x12: {  	[sflag:s22] =	ssyncset.done $0x0  }
0x13: {  	s25 =	sadd.s32 $0x1, s25;
	[sflag:s22] =	ssyncadd.s32 $0xFFFFCE00  }
0x14: {  	p0 =	sne.s32 s25, s8;
	_ =	swait.ge [sflag:s23], $0x3200  }
.Ltmp1:
0x15: {  	[sflag:s23] =	ssyncset.done $0x0;
	(pc) =	sbr.rel @!p0 .LBB2_13-.Ltmp1, $4  }
0x16: {  	[sflag:s23] =	ssyncadd.s32 $0xFFFFCE00  }
0x17: {  	_ =	swait.ge [sflag:s24], $0x3200  }
0x18: {  	[sflag:s24] =	ssyncset.done $0x0  }
0x19: {  	[sflag:s24] =	ssyncadd.s32 $0xFFFFCE00  }
.LBB2_1:
0x1a: {  	[tilespmem:s3], [sflag:$0x9] =	stream.linear.gather [hbm4b:s7+s3], $0x6400, $0x38;
	[tilespmem:$0x15E00] =	vst v63  }
0x1b: {  	_ =	swait.ge [sflag:s9], $0x6400  }
0x1c: {  	[sflag:s9] =	ssyncset.done $0x0  }
0x1d: {  	[sflag:s9] =	ssyncadd.s32 $0xFFFF9C00  }
0x1e: {  	[tilespmem:s10], [sflag:$0x9] =	stream.linear.gather [hbm4b:s5+s3], $0x3200, $0x38;
	[tilespmem:$0x15E00] =	vst v63  }
0x1f: {  	_ =	swait.ge [sflag:s9], $0x3200  }
0x20: {  	[sflag:s9] =	ssyncset.done $0x0  }
0x21: {  	[sflag:s9] =	ssyncadd.s32 $0xFFFFCE00  }
0x22: {  	[tilespmem:s12], [sflag:$0x1] =	stream.indirect.gather [hbm4b:s4+s11], $0x40, s3, s11, $0xb8;
	[tilespmem:$0x15E00] =	vst v63  }
0x23: {  	_ = 	snop  }
0x24: {  	[tilespmem:s13], [sflag:$0x2] =	stream.indirect.gather [hbm4b:s4+s11], $0x40, s11, s11, $0xb8;
	[tilespmem:$0x15E00] =	vst v63  }
0x25: {  	s26 =	simm.s32 $0x0  }
0x26: {  	[tilespmem:s15], [sflag:$0x3] =	stream.indirect.gather [hbm4b:s4+s11], $0x40, s14, s11, $0xb8;
	[tilespmem:$0x15E00] =	vst v63  }
.LBB2_2:
0x27: {  	_ =	swait.ge [sflag:s16], $0x3200  }
0x28: {  	[sflag:s16] =	ssyncset.done $0x0  }
0x29: {  	s28 =	simm.s32 $0x0;
	[sflag:s16] =	ssyncadd.s32 $0xFFFFCE00  }
0x2a: {  	v5 =	vld [tilespmem:s28+$0x6400]  }
0x2b: {  	v6 =	vld [tilespmem:s28+$0x6410]  }
0x2c: {  	v1 =	vld [tilespmem:s28+$0x6420]  }
0x2d: {  	v0 =	vld [tilespmem:s28+$0x6430]  }
0x2e: {  	v3 =	vld [tilespmem:s28+$0x9600]  }
0x2f: {  	v4 =	vld [tilespmem:s28+$0x9610]  }
0x30: {  	s29 =	simm.s32 $0x100;
	v2 =	vld [tilespmem:s28+$0x9620]  }
.LBB2_3:
0x31: {  	s1 =	sshra.s32 s29, $0x2;
	p0 =	sne.s32 s29, $0xC700;
	v7 =	vld [tilespmem:s28+$0x9630];
	v8 =	vmov v1  }
0x32: {  	v9 =	vld [tilespmem:s1+$0x6400];
	v10 =	vmov v0  }
0x33: {  	v11 =	vld [tilespmem:s1+$0x6410];
	v3 =	vadd.f32 v5, v3  }
.Ltmp2:
0x34: {  	v1 =	vld [tilespmem:s1+$0x6420];
	v4 =	vadd.f32 v6, v4;
	(pc) =	sbr.rel @p0 .LBB2_3-.Ltmp2, $4  }
0x35: {  	v0 =	vld [tilespmem:s1+$0x6430];
	[tilespmem:s28+$0x9600] =	vst v3;
	v2 =	vadd.f32 v8, v2  }
0x36: {  	v3 =	vld [tilespmem:s1+$0x9600];
	[tilespmem:s28+$0x9610] =	vst v4;
	v7 =	vadd.f32 v10, v7  }
0x37: {  	v4 =	vld [tilespmem:s1+$0x9610];
	[tilespmem:s28+$0x9620] =	vst v2;
	v5 =	vmov v9  }
0x38: {  	s29 =	sadd.s32 $0x100, s29;
	v2 =	vld [tilespmem:s1+$0x9620];
	[tilespmem:s28+$0x9630] =	vst v7;
	v6 =	vmov v11;
	s28 =	smov.u32 s1  }
0x39: {  	v7 =	vld [tilespmem:s28+$0x9630];
	_ =	sdelay $0x1  }
0x3a: {  	v3 =	vadd.f32 v5, v3  }
0x3b: {  	s29 =	sshll.u32 s26, $0x2;
	v4 =	vadd.f32 v6, v4  }
0x3c: {  	s1 =	sadd.s32 s6, s29;
	[tilespmem:s28+$0x9600] =	vst v3;
	v1 =	vadd.f32 v1, v2  }
0x3d: {  	s1 =	smul.u32 $0x640, s1;
	[tilespmem:s28+$0x9610] =	vst v4;
	v0 =	vadd.f32 v0, v7  }
0x3e: {  	[tilespmem:s28+$0x9620] =	vst v1  }
0x3f: {  	p0 =	seq.s32 s26, $0x0;
	s1 =	sadd.s32 s2, s1;
	[tilespmem:s28+$0x9630] =	vst v0  }
0x40: {  	[hbm4b:s1+s3] =	stream.linear.scatter [tilespmem:s12], [sflag:$0x5], $0x3200, $0x38;
	[tilespmem:$0x15E00] =	vst v63  }
0x41: {  	s28 =	sshllo.u32 s26, $0x2;
	s1 =	simm.s32 @!p0 $0x8  }
0x42: {  	s30 =	smul.u32 $0x320, s28;
	_ =	swait.ge @!p0 [sflag:s1], $0x3200  }
0x43: {  	[sflag:s1] =	ssyncset.done @!p0 $0x0  }
0x44: {  	s0 =	sshra.s32 s30, $0x2;
	[sflag:s1] =	ssyncadd.s32 @!p0 $0xFFFFCE00  }
0x45: {  	[tilespmem:s17], [sflag:$0x4] =	stream.indirect.gather [hbm4b:s4+s11], $0x40, s0, s11, $0xb8;
	[tilespmem:$0x15E00] =	vst v63  }
0x46: {  	_ =	swait.ge [sflag:s18], $0x3200  }
0x47: {  	[sflag:s18] =	ssyncset.done $0x0  }
0x48: {  	s30 =	simm.s32 $0x0;
	[sflag:s18] =	ssyncadd.s32 $0xFFFFCE00  }
0x49: {  	v5 =	vld [tilespmem:s30+$0x6400]  }
0x4a: {  	v6 =	vld [tilespmem:s30+$0x6410]  }
0x4b: {  	v1 =	vld [tilespmem:s30+$0x6420]  }
0x4c: {  	v0 =	vld [tilespmem:s30+$0x6430]  }
0x4d: {  	v3 =	vld [tilespmem:s30+$0xC800]  }
0x4e: {  	v4 =	vld [tilespmem:s30+$0xC810]  }
0x4f: {  	s31 =	simm.s32 $0x100;
	v2 =	vld [tilespmem:s30+$0xC820]  }
.LBB2_5:
0x50: {  	s1 =	sshra.s32 s31, $0x2;
	p0 =	sne.s32 s31, $0xC700;
	v7 =	vld [tilespmem:s30+$0xC830];
	v8 =	vmov v1  }
0x51: {  	v9 =	vld [tilespmem:s1+$0x6400];
	v10 =	vmov v0  }
0x52: {  	v11 =	vld [tilespmem:s1+$0x6410];
	v3 =	vadd.f32 v5, v3  }
.Ltmp3:
0x53: {  	v1 =	vld [tilespmem:s1+$0x6420];
	v4 =	vadd.f32 v6, v4;
	(pc) =	sbr.rel @p0 .LBB2_5-.Ltmp3, $4  }
0x54: {  	v0 =	vld [tilespmem:s1+$0x6430];
	[tilespmem:s30+$0xC800] =	vst v3;
	v2 =	vadd.f32 v8, v2  }
0x55: {  	v3 =	vld [tilespmem:s1+$0xC800];
	[tilespmem:s30+$0xC810] =	vst v4;
	v7 =	vadd.f32 v10, v7  }
0x56: {  	v4 =	vld [tilespmem:s1+$0xC810];
	[tilespmem:s30+$0xC820] =	vst v2;
	v5 =	vmov v9  }
0x57: {  	s31 =	sadd.s32 $0x100, s31;
	v2 =	vld [tilespmem:s1+$0xC820];
	[tilespmem:s30+$0xC830] =	vst v7;
	v6 =	vmov v11;
	s30 =	smov.u32 s1  }
0x58: {  	v7 =	vld [tilespmem:s30+$0xC830];
	_ =	sdelay $0x1  }
0x59: {  	v3 =	vadd.f32 v5, v3  }
0x5a: {  	s1 =	sadd.s32 s29, s6;
	v4 =	vadd.f32 v6, v4  }
0x5b: {  	s1 =	smul.u32 $0x640, s1;
	[tilespmem:s30+$0xC800] =	vst v3;
	v1 =	vadd.f32 v1, v2  }
0x5c: {  	[tilespmem:s30+$0xC810] =	vst v4;
	v0 =	vadd.f32 v0, v7  }
0x5d: {  	s29 =	sadd.s32 s2, s1;
	[tilespmem:s30+$0xC820] =	vst v1  }
0x5e: {  	p0 =	seq.s32 s26, $0x1F;
	s1 =	sadd.s32 $0x640, s29;
	[tilespmem:s30+$0xC830] =	vst v0  }
0x5f: {  	[hbm4b:s1+s3] =	stream.linear.scatter [tilespmem:s13], [sflag:$0x6], $0x3200, $0x38;
	[tilespmem:$0x15E00] =	vst v63  }
0x60: {  	s30 =	smul.u32 @!p0 $0xC80, s26;
	s1 =	simm.s32 @!p0 $0x5  }
0x61: {  	_ =	swait.ge @!p0 [sflag:s1], $0x3200  }
0x62: {  	s31 =	simm.s32 @!p0 $0xC8;
	s30 =	sshra.s32 @!p0 s30, $0x2;
	[sflag:s1] =	ssyncset.done @!p0 $0x0  }
0x63: {  	s0 =	simm.s32 @!p0 $0x9600;
	[sflag:s1] =	ssyncadd.s32 @!p0 $0xFFFFCE00;
	s1 =	sadd.s32 @!p0 $0x320, s30  }
0x64: {  	[tilespmem:s0], [sflag:$0x1] =	stream.indirect.gather @!p0 [hbm4b:s4+s31], $0x40, s1, s31, $0xb8;
	[tilespmem:$0x15E00] =	vst v63  }
0x65: {  	_ =	swait.ge [sflag:s19], $0x3200  }
0x66: {  	[sflag:s19] =	ssyncset.done $0x0  }
0x67: {  	s31 =	simm.s32 $0x0;
	[sflag:s19] =	ssyncadd.s32 $0xFFFFCE00  }
0x68: {  	v5 =	vld [tilespmem:s31+$0x6400]  }
0x69: {  	v6 =	vld [tilespmem:s31+$0x6410]  }
0x6a: {  	v1 =	vld [tilespmem:s31+$0x6420]  }
0x6b: {  	v0 =	vld [tilespmem:s31+$0x6430]  }
0x6c: {  	v2 =	vld [tilespmem:s31+$0xFA00]  }
0x6d: {  	v4 =	vld [tilespmem:s31+$0xFA10]  }
0x6e: {  	s1 =	simm.s32 $0x100;
	v3 =	vld [tilespmem:s31+$0xFA20]  }
.LBB2_7:
0x6f: {  	s0 =	sshra.s32 s1, $0x2;
	p1 =	sne.s32 s1, $0xC700;
	v7 =	vld [tilespmem:s31+$0xFA30];
	v8 =	vmov v1  }
0x70: {  	v9 =	vld [tilespmem:s0+$0x6400];
	v10 =	vmov v0  }
0x71: {  	v11 =	vld [tilespmem:s0+$0x6410];
	v2 =	vadd.f32 v5, v2  }
.Ltmp4:
0x72: {  	v1 =	vld [tilespmem:s0+$0x6420];
	v4 =	vadd.f32 v6, v4;
	(pc) =	sbr.rel @p1 .LBB2_7-.Ltmp4, $4  }
0x73: {  	v0 =	vld [tilespmem:s0+$0x6430];
	[tilespmem:s31+$0xFA00] =	vst v2;
	v3 =	vadd.f32 v8, v3  }
0x74: {  	v2 =	vld [tilespmem:s0+$0xFA00];
	[tilespmem:s31+$0xFA10] =	vst v4;
	v7 =	vadd.f32 v10, v7  }
0x75: {  	v4 =	vld [tilespmem:s0+$0xFA10];
	[tilespmem:s31+$0xFA20] =	vst v3;
	v5 =	vmov v9  }
0x76: {  	s1 =	sadd.s32 $0x100, s1;
	v3 =	vld [tilespmem:s0+$0xFA20];
	[tilespmem:s31+$0xFA30] =	vst v7;
	v6 =	vmov v11;
	s31 =	smov.u32 s0  }
0x77: {  	v7 =	vld [tilespmem:s31+$0xFA30];
	_ =	sdelay $0x1  }
0x78: {  	v2 =	vadd.f32 v5, v2  }
0x79: {  	v4 =	vadd.f32 v6, v4  }
0x7a: {  	[tilespmem:s31+$0xFA00] =	vst v2;
	v1 =	vadd.f32 v1, v3  }
0x7b: {  	[tilespmem:s31+$0xFA10] =	vst v4;
	v0 =	vadd.f32 v0, v7  }
0x7c: {  	[tilespmem:s31+$0xFA20] =	vst v1  }
0x7d: {  	s0 =	sadd.s32 $0xC80, s29;
	[tilespmem:s31+$0xFA30] =	vst v0  }
0x7e: {  	[hbm4b:s0+s3] =	stream.linear.scatter [tilespmem:s15], [sflag:$0x7], $0x3200, $0x38;
	[tilespmem:$0x15E00] =	vst v63  }
0x7f: {  	s0 =	simm.s32 @!p0 $0x6  }
0x80: {  	_ =	swait.ge @!p0 [sflag:s0], $0x3200  }
0x81: {  	s1 =	simm.s32 @!p0 $0xC8;
	[sflag:s0] =	ssyncset.done @!p0 $0x0  }
0x82: {  	s29 =	simm.s32 @!p0 $0xC800;
	[sflag:s0] =	ssyncadd.s32 @!p0 $0xFFFFCE00;
	s0 =	sadd.s32 @!p0 $0x3E8, s30  }
0x83: {  	[tilespmem:s29], [sflag:$0x2] =	stream.indirect.gather @!p0 [hbm4b:s4+s1], $0x40, s0, s1, $0xb8;
	[tilespmem:$0x15E00] =	vst v63  }
0x84: {  	_ =	swait.ge [sflag:s20], $0x3200  }
0x85: {  	[sflag:s20] =	ssyncset.done $0x0  }
0x86: {  	s29 =	simm.s32 $0x0;
	[sflag:s20] =	ssyncadd.s32 $0xFFFFCE00  }
0x87: {  	v5 =	vld [tilespmem:s29+$0x6400]  }
0x88: {  	v6 =	vld [tilespmem:s29+$0x6410]  }
0x89: {  	v1 =	vld [tilespmem:s29+$0x6420]  }
0x8a: {  	v0 =	vld [tilespmem:s29+$0x6430]  }
0x8b: {  	v2 =	vld [tilespmem:s29+$0x12C00]  }
0x8c: {  	v4 =	vld [tilespmem:s29+$0x12C10]  }
0x8d: {  	s1 =	simm.s32 $0x100;
	v3 =	vld [tilespmem:s29+$0x12C20]  }
.LBB2_9:
0x8e: {  	s0 =	sshra.s32 s1, $0x2;
	p1 =	sne.s32 s1, $0xC700;
	v7 =	vld [tilespmem:s29+$0x12C30];
	v8 =	vmov v1  }
0x8f: {  	v9 =	vld [tilespmem:s0+$0x6400];
	v10 =	vmov v0  }
0x90: {  	v11 =	vld [tilespmem:s0+$0x6410];
	v2 =	vadd.f32 v5, v2  }
.Ltmp5:
0x91: {  	v1 =	vld [tilespmem:s0+$0x6420];
	v4 =	vadd.f32 v6, v4;
	(pc) =	sbr.rel @p1 .LBB2_9-.Ltmp5, $4  }
0x92: {  	v0 =	vld [tilespmem:s0+$0x6430];
	[tilespmem:s29+$0x12C00] =	vst v2;
	v3 =	vadd.f32 v8, v3  }
0x93: {  	v2 =	vld [tilespmem:s0+$0x12C00];
	[tilespmem:s29+$0x12C10] =	vst v4;
	v7 =	vadd.f32 v10, v7  }
0x94: {  	v4 =	vld [tilespmem:s0+$0x12C10];
	[tilespmem:s29+$0x12C20] =	vst v3;
	v5 =	vmov v9  }
0x95: {  	s1 =	sadd.s32 $0x100, s1;
	v3 =	vld [tilespmem:s0+$0x12C20];
	[tilespmem:s29+$0x12C30] =	vst v7;
	v6 =	vmov v11;
	s29 =	smov.u32 s0  }
0x96: {  	v7 =	vld [tilespmem:s29+$0x12C30];
	_ =	sdelay $0x1  }
0x97: {  	v2 =	vadd.f32 v5, v2  }
0x98: {  	v4 =	vadd.f32 v6, v4  }
.Ltmp6:
0x99: {  	s0 =	sadd.s32 s6, s28;
	[tilespmem:s29+$0x12C00] =	vst v2;
	v1 =	vadd.f32 v1, v3;
	(pc) =	sbr.rel @p0 .LBB2_12-.Ltmp6, $4  }
0x9a: {  	s0 =	smul.u32 $0x640, s0;
	[tilespmem:s29+$0x12C10] =	vst v4;
	v0 =	vadd.f32 v0, v7  }
0x9b: {  	[tilespmem:s29+$0x12C20] =	vst v1  }
0x9c: {  	s0 =	sadd.s32 s2, s0;
	[tilespmem:s29+$0x12C30] =	vst v0  }
0x9d: {  	[hbm4b:s0+s3] =	stream.linear.scatter [tilespmem:s17], [sflag:$0x8], $0x3200, $0x38;
	[tilespmem:$0x15E00] =	vst v63  }
0x9e: {  	s0 =	smul.u32 $0xC80, s26  }
.Ltmp7:
0x9f: {  	_ = 	snop;
	(pc) =	sbr.rel .LBB2_2-.Ltmp7, $4  }
0xa0: {  	_ =	swait.ge [sflag:s23], $0x3200  }
0xa1: {  	[sflag:s23] =	ssyncset.done $0x0;
	s0 =	sshra.s32 s0, $0x2  }
0xa2: {  	s26 =	sadd.s32 $0x1, s26;
	[sflag:s23] =	ssyncadd.s32 $0xFFFFCE00;
	s0 =	sadd.s32 $0x4B0, s0  }
0xa3: {  	[tilespmem:s15], [sflag:$0x3] =	stream.indirect.gather [hbm4b:s4+s11], $0x40, s0, s11, $0xb8;
	[tilespmem:$0x15E00] =	vst v63  }
.LBB2_13:
0xa4: {  	_ =	sfence.sel $0x180000  }
0xa5: {  	[bflag:$0x0] =	sbarrier.arrive $0xFFFF  }
0xa6: {  	_ =	strace $0x90000047  }
0xa7: {  	s0 =	stileid.u32;
	[bflag:$0x2] =	sbarrier.arrive $0xFFFF  }
0xa8: {  	p0 =	sne.s32 s0, $0x0;
	s0 =	rddreg [dreg:$0x2]  }
0xa9: {  	s0 =	sadd.s32 @!p0 $0x100000, s0  }
0xaa: {  	[sflag:s0] =	ssyncadd.tile.s32 @!p0 $0x1;
	_ =	shalt  }
.Lfunc_end2:
_tile_overlayer_lowered:
.L_overlay_start_2:
0xab: {  	(tag) =	ssettag $0x2  }
0xac: {  	s0 =	rddreg [dreg:$0x0];
	s2 =	stileid.u32  }
0xad: {  	s1 =	rddreg [dreg:$0x1];
	p0 =	sne.s32 s2, $0x0  }
0xae: {  	s3 =	rddreg [dreg:$0x2];
	[bflag:$0x3] =	sbarrier.arrive $0xFFFF;
	s2 =	simm.s32 @!p0 $0x1C09  }
0xaf: {  	[timem:s3], [sflag:s2] =	dma.local @!p0 [hbm:s0], s1  }
0xb0: {  	s0 =	simm.s32 @!p0 $0x9  }
0xb1: {  	_ =	swait.ge @!p0 [sflag:s0], s1  }
0xb2: {  	s1 =	ssub.s32 @!p0 $0x0, s1;
	[sflag:s0] =	ssyncset.done @!p0 $0x0  }
0xb3: {  	[sflag:s0] =	ssyncadd.s32 @!p0 s1  }
0xb4: {  	[bflag:$0x3] =	sbarrier.arrive $0xFFFF  }
0xb5: {  	_ =	shalt  }

// kernel: sparse-core-data-format-call.cloned.1.call-start
scs
called_computation_lowered:
.L_overlay_start_0:
0x0: {  	s2 =	sld [smem:$0x3FD9]  }
0x1: {  	s3 =	sld [smem:$0x3FFE];
	_ =	sdelay $0x1  }
0x2: {  	s1 =	srdreg.scid  }
0x3: {  	s0 =	sand.u32 $0x1, s1  }
0x4: {  	s18 =	sshll.u32 s0, $0xA;
	s2 =	sadd.s32 s3, s2  }
0x5: {  	s2 =	sadd.s32 s2, s18  }
0x6: {  	[smem:$0x3FC5] =	sst s2  }
0x7: {  	_ = 	snop  }
0x8: {  	s2 =	sld [smem:$0x3FD0];
	(tm) =	ssettm $0x1  }
0x9: {  	s19 =	sld [smem:$0x3FFB];
	_ =	sdelay $0x3  }
0xa: {  	_ =	strace s19  }
0xb: {  	s3 =	sld [smem:$0x3FFC];
	_ =	sdelay $0x3  }
0xc: {  	_ =	strace s3  }
0xd: {  	s3 =	sld [smem:$0x3FFD];
	_ =	sdelay $0x3  }
0xe: {  	_ =	strace s3  }
0xf: {  	_ =	strace $0x8FFFFFFF  }
0x10: {  	s20 =	sld [smem:$0x3FDB];
	_ =	sdelay $0x1  }
0x11: {  	s4 =	simm.s32 $_scs_section_size  }
0x12: {  	s5 =	simm.s32 $_size__tile_overlayer_lowered;
	s6 =	simm.s32 $_tile_overlayer_lowered  }
0x13: {  	s23 =	simm.s32 $0x1BFF;
	s22 =	sshll.u32 s6, $0x1;
	s3 =	sadd.s32 s4, s20  }
0x14: {  	s7 =	simm.s32 $0x0;
	s21 =	sshll.u32 s5, $0x1;
	s5 =	sadd.s32 s22, s3  }
0x15: {  	[timem:s7], [sflag:s23] =	dma.local [hbm:s5], s21  }
0x16: {  	_ =	swait.ge [sflag:s23], s21  }
0x17: {  	s4 =	ssub.s32 $0x0, s21;
	[sflag:s23] =	ssyncset.done $0x0  }
0x18: {  	[sflag:s23] =	ssyncadd.s32 s4;
	_ =	sdelay $0x1  }
0x19: {  	s24 =	simm.s32 $0x1B8B  }
0x1a: {  	_ =	swait.ge [sflag:s24], $0x1  }
0x1b: {  	[sflag:s24] =	ssyncset.done $0x0  }
0x1c: {  	s26 =	simm.s32 $0x1B8E;
	s25 =	sld [smem:$0x3FFE];
	[sflag:s24] =	ssyncadd.s32 $0xFFFFFFFF  }
0x1d: {  	s27 =	simm.s32 $execute0_lowered;
	[smem:$0x3FD2] =	sst s26  }
0x1e: {  	s5 =	sshll.u32 s27, $0x1;
	_ =	strace $0x80000049;
	[dreg:$0x1] =	wrdreg $0xFFFFFFFF  }
0x1f: {  	s28 =	simm.s32 $_size_execute0_lowered;
	s3 =	sadd.s32 s3, s5;
	[dreg:$0x0] =	wrdreg $0x0  }
0x20: {  	s5 =	sshll.u32 s28, $0x1;
	[dreg:$0x2] =	wrdreg s3  }
0x21: {  	[dreg:$0x3] =	wrdreg s5  }
0x22: {  	[dreg:$0x4] =	wrdreg $0xC0  }
0x23: {  	_ =	task [dreg:s7], $0x5FFFF  }
0x24: {  	[dreg:$0x1] =	wrdreg $0xFFFFFFFF  }
0x25: {  	[dreg:$0x0] =	wrdreg $0x60  }
0x26: {  	[dreg:$0x2] =	wrdreg s25  }
0x27: {  	[dreg:$0x3] =	wrdreg s2  }
0x28: {  	[dreg:$0x4] =	wrdreg $0x9  }
0x29: {  	_ =	task.clear_ibuf [dreg:s7], $0x5FFFF;
	_ =	strace $0x90000049  }
0x2a: {  	s29 =	simm.s32 $0x9;
	_ =	strace $0x8000004B  }
0x2b: {  	_ =	swait.ge [sflag:s29], $0x1  }
0x2c: {  	[sflag:s29] =	ssyncadd.s32 $0xFFFFFFFF  }
0x2d: {  	_ =	strace $0x9000004B  }
0x2e: {  	_ =	sfence  }
0x2f: {  	s30 =	sld [smem:$0x0];
	_ =	sdelay $0x2  }
0x30: {  	s31 =	sshll.u32 s1, $0xD;
	s1 =	sshrl.u32 s1, $0x2  }
0x31: {  	s3 =	sand.u32 $0x4000, s31;
	s1 =	sadd.s32 s1, s30  }
0x32: {  	s0 =	sor.u32 s3, s0;
	s1 =	sshll.u32 s1, $0x11  }
0x33: {  	s0 =	sor.u32 s1, s0  }
0x34: {  	s0 =	sadd.s32 $0x8F2B, s0  }
0x35: {  	[sflag:s0] =	ssyncadd.remote.s32 $0x1  }
0x36: {  	_ =	sfence.sel $0xFFFF  }
0x37: {  	[dreg:$0x0] =	wrdreg $0xFFFFFFFF;
	(pc) =	sbr.abs _section_cstart, $3  }
0x38: {  	[dreg:$0x1] =	wrdreg $0xFFFFFFFF  }
0x39: {  	_ =	task.clear_ibuf [dreg:s7], $0x2FFFF;
	_ =	strace $0x9FFFFFFF  }
0x3a: {  	(tm) =	ssettm $0x7FFFFFFF  }
0x3b: {  	_ =	shalt  }
tec
execute0_lowered:
.L_overlay_start_1:
0x0: {  	(tag) =	ssettag $0x1  }
0x1: {  	s0 =	srdreg.scid  }
0x2: {  	s1 =	sshll.u32 s0, $0x4  }
0x3: {  	s0 =	stileid.u32;
	s1 =	sand.u32 $0x10, s1  }
0x4: {  	s1 =	sor.u32 s0, s1  }
0x5: {  	s6 =	rddreg [dreg:$0x0];
	s4 =	simm.s32 $0x1;
	s2 =	sshll.u32 s1, $0x7  }
0x6: {  	s7 =	simm.s32 $0x2;
	s12 =	simm.s32 $0x0;
	s1 =	ssub.s32 $0x1000, s2  }
0x7: {  	s8 =	simm.s32 $0x8000;
	s13 =	simm.s32 $0x0;
	s3 =	sand.u32 $0xF80, s1  }
0x8: {  	s9 =	simm.s32 $0x0;
	s5 =	sshrl.u32 s1, $0xC;
	p0 =	sne.s32 s3, $0x0  }
.Ltmp0:
0x9: {  	s1 =	rddreg [dreg:$0x2];
	s4 =	simm.s32 @!p0 $0x0;
	(pc) =	sbr.rel .LBB1_1-.Ltmp0, $4  }
0xa: {  	s11 =	simm.s32 $0x0;
	s3 =	rddreg [dreg:$0x1];
	s5 =	sadd.s32 s4, s5  }
0xb: {  	_ =	strace $0x8000004A;
	s4 =	simm.s32 $0x1;
	s5 =	smul.u32 $0xC8, s5  }
0xc: {  	s6 =	sadd.s32 $0xC00, s6;
	s10 =	smov.u32 s2;
	[sflag:s4] =	ssyncpa.u1 $0x0  }
0xd: {  	p0 =	por $0x0, $0x0;
	[sflag:s7] =	ssyncpa.u1 $0x0;
	s7 =	sor.u32 $0x1, s5  }
.LBB1_4:
0xe: {  	s16 =	sshll.u32 s13, $0x3;
	s17 =	sand.u32 $0x78, s13  }
0xf: {  	s30 =	sand.u32 $0x7E00, s13;
	s12 =	sshll.u32 s12, $0xF;
	s16 =	sand.u32 $0xC00, s16  }
0x10: {  	[tilespmem:s15+$0x810 ss:$0x81] =	vst.msk $0xffff, v2;
	s31 =	sand.u32 $0x7, s13;
	s16 =	sor.u32 s17, s16;
	s17 =	sadd.s32 s3, s30  }
0x11: {  	[tilespmem:s15+$0x1020 ss:$0x81] =	vst.msk $0xffff, v0;
	s13 =	sshll.u32 s31, $0x12;
	s12 =	sadd.s32 s12, s17;
	s16 =	sshrl.u32 s16, $0x3  }
0x12: {  	[tilespmem:s15+$0x0 ss:$0x81] =	vst.msk $0xffff, v1;
	s13 =	sor.u32 $0x400, s13;
	s12 =	sadd.s32 s16, s12  }
0x13: {  	[hbm4b:s12+s13] =	stream.strided.scatter [tilespmem:s14], [sflag:$0x2], $0x2000, s8, s13, $0x20;
	[tilespmem:$0x8080] =	vst v63  }
.LBB1_5:
0x14: {  	s14 =	sadd.s32 $0x1, s9  }
0x15: {  	s12 =	sadd.s32 $0x1000, s10;
	s16 =	smov.u32 s10;
	p2 =	sgt.s32 s14, $0xC7  }
0x16: {  	s16 =	smov.u32 @p2 s12  }
0x17: {  	s14 =	simm.s32 @p2 $0x0;
	p2 =	sgt.s32 s16, $0xFFF  }
0x18: {  	s16 =	smov.u32 @p2 s2;
	p2 =	sne.s32 s11, s7  }
.Ltmp1:
0x19: {  	p1 =	slt.u32 s11, $0x2;
	(pc) =	sbr.rel @!p2 .LBB1_6-.Ltmp1, $4  }
0x1a: {  	s15 =	simm.s32 @!p1 $0x2  }
0x1b: {  	s13 =	smov.u32 s10;
	p0 =	por !p0, !p0;
	_ =	swait.ge @!p1 [sflag:s15], $0x2000  }
0x1c: {  	s12 =	smov.u32 s9;
	[sflag:s15] =	ssyncset.done @!p1 $0x0;
	s9 =	smov.u32 s14  }
0x1d: {  	s11 =	sadd.s32 $0x1, s11;
	[sflag:s15] =	ssyncadd.s32 @!p1 $0xFFFFE000;
	s10 =	smov.u32 s16  }
.LBB1_1:
0x1e: {  	p1 =	sge.u32 s11, s5  }
0x1f: {  	s14 =	sand.u32 @!p1 $0x1FFFFFF, s9  }
0x20: {  	s15 =	smulhi.u32 @!p1 $0x147AE15, s14;
	_ =	sdelay $0x1  }
0x21: {  	s15 =	smul.u32 @!p1 $0xC8, s15  }
0x22: {  	s16 =	sxor.u32 @!p1 $0xFFFFFFFF, s11;
	s17 =	smul.u32 @!p1 $0xC80, s10  }
0x23: {  	s31 =	sadd.s32 $0xFFFFFFFF, s11;
	s16 =	sshll.u32 @!p1 s16, $0xD;
	s14 =	ssub.s32 @!p1 s14, s15  }
0x24: {  	s15 =	sand.u32 @!p1 $0x2000, s16;
	s16 =	sadd.s32 @!p1 s6, s17;
	s14 =	sshll.u32 @!p1 s14, $0x4  }
0x25: {  	s17 =	simm.s32 @!p1 $0x6400;
	s14 =	sadd.s32 @!p1 s14, s16;
	s16 =	simm.s32 @!p1 $0x40  }
0x26: {  	[tilespmem:s15], [sflag:$0x1] =	stream.strided.gather @!p1 [hbm4b:s14+s16], $0x2000, s17, s16, $0x38;
	[tilespmem:$0x8080] =	vst v63  }
0x27: {  	p1 =	sge.u32 s31, s5  }
.Ltmp2:
0x28: {  	_ = 	snop;
	(pc) =	sbr.rel @p1 .LBB1_5-.Ltmp2, $1  }
0x29: {  	_ =	sdelay $0x3  }
0x2a: {  	s14 =	simm.s32 $0x1  }
0x2b: {  	_ =	swait.ge [sflag:s4], $0x2000;
	s14 =	simm.s32 @!p0 $0x0  }
0x2c: {  	[sflag:s4] =	ssyncset.done $0x0;
	s15 =	sshll.u32 s14, $0xD  }
0x2d: {  	[sflag:s4] =	ssyncadd.s32 $0xFFFFE000;
	s18 =	sor.u32 $0x20, s15  }
0x2e: {  	s14 =	smul.u32 $0x8100, s14;
	v3 =	vld [tilespmem:s18+$0x10]  }
0x2f: {  	s30 =	sand.u32 $0x1, s11;
	v2 =	vld [tilespmem:s18+$0xFFFFFFF0]  }
0x30: {  	s15 =	smul.u32 $0x8100, s30;
	s14 =	sshrl.u32 s14, $0x2;
	v0 =	vld [tilespmem:s18+$0x0]  }
0x31: {  	v1 =	vld [tilespmem:s18+$0xFFFFFFE0];
	s16 =	sor.u32 $0x4000, s14  }
0x32: {  	s31 =	sshrl.u32 s15, $0x2;
	s15 =	sadd.s32 $0x0, s16  }
0x33: {  	s17 =	simm.s32 $0x4;
	s18 =	sadd.s32 $0x40, s18;
	s14 =	sor.u32 $0x4000, s31;
	[tilespmem:s15+$0x1830 ss:$0x81] =	vst.msk $0xffff, v3  }
.LBB1_3:
0x34: {  	v3 =	vld [tilespmem:s18+$0x10];
	p1 =	sne.s32 s17, $0x1FC;
	[tilespmem:s15+$0x810 ss:$0x81] =	vst.msk $0xffff, v2;
	s19 =	smov.u32 s17;
	s17 =	sadd.s32 $0x4, s17  }
.Ltmp3:
0x35: {  	v2 =	vld [tilespmem:s18+$0xFFFFFFF0];
	[tilespmem:s15+$0x1020 ss:$0x81] =	vst.msk $0xffff, v0;
	(pc) =	sbr.rel @p1 .LBB1_3-.Ltmp3, $4  }
0x36: {  	v0 =	vld [tilespmem:s18+$0x0];
	[tilespmem:s15+$0x0 ss:$0x81] =	vst.msk $0xffff, v1  }
0x37: {  	s15 =	sshra.s32 s19, $0x2;
	v1 =	vld [tilespmem:s18+$0xFFFFFFE0]  }
0x38: {  	s15 =	sadd.s32 s15, s16  }
0x39: {  	s18 =	sadd.s32 $0x40, s18;
	[tilespmem:s15+$0x1830 ss:$0x81] =	vst.msk $0xffff, v3  }
.Ltmp4:
0x3a: {  	_ = 	snop;
	(pc) =	sbr.rel .LBB1_4-.Ltmp4, $1  }
0x3b: {  	_ =	sdelay $0x3  }
.LBB1_6:
0x3c: {  	_ =	sfence.sel $0x180000  }
0x3d: {  	s2 =	simm.s32 $0x1;
	[bflag:$0x0] =	sbarrier.arrive $0xFFFF  }
0x3e: {  	s31 =	simm.s32 $0x2;
	[sflag:s2] =	ssyncpa.u1 $0x1  }
0x3f: {  	[sflag:s31] =	ssyncpa.u1 $0x1  }
0x40: {  	p0 =	sne.s32 s0, $0x0;
	_ =	strace $0x9000004A  }
0x41: {  	s0 =	sadd.s32 @!p0 $0x100000, s1;
	[bflag:$0x2] =	sbarrier.arrive $0xFFFF  }
0x42: {  	[sflag:s0] =	ssyncadd.tile.s32 @!p0 $0x1;
	_ =	shalt  }
.Lfunc_end1:
_tile_overlayer_lowered:
.L_overlay_start_2:
0x43: {  	(tag) =	ssettag $0x2  }
0x44: {  	s0 =	rddreg [dreg:$0x0];
	s2 =	stileid.u32  }
0x45: {  	s1 =	rddreg [dreg:$0x1];
	p0 =	sne.s32 s2, $0x0  }
0x46: {  	s3 =	rddreg [dreg:$0x2];
	[bflag:$0x3] =	sbarrier.arrive $0xFFFF;
	s2 =	simm.s32 @!p0 $0x1C01  }
0x47: {  	[timem:s3], [sflag:s2] =	dma.local @!p0 [hbm:s0], s1  }
0x48: {  	s0 =	simm.s32 @!p0 $0x1  }
0x49: {  	_ =	swait.ge @!p0 [sflag:s0], s1  }
0x4a: {  	s1 =	ssub.s32 @!p0 $0x0, s1;
	[sflag:s0] =	ssyncset.done @!p0 $0x0  }
0x4b: {  	[sflag:s0] =	ssyncadd.s32 @!p0 s1  }
0x4c: {  	[bflag:$0x3] =	sbarrier.arrive $0xFFFF  }
0x4d: {  	_ =	shalt  }

</sc_bundles>
